<compile_context>
chip_gen: v7x
topology: tpu7x:2x2x1
jax: 0.10.2.dev20260603
libtpu: 0.0.44.dev20260713+nightly
codegen_flags: <defaults>
</compile_context>

<pallas_src>
import dataclasses

import jax
import jax.numpy as jnp
from jax import lax
from jax.experimental import pallas as pl
from jax.experimental.pallas import tpu as pltpu
from jax.experimental.pallas import tpu_sc as plsc

N = 10000
D = 128
E = 320000
CHUNK = 128
NCORES = 2
NSUB = 16
NW = NCORES * NSUB
NCHUNKS = 2560
EP = (NCHUNKS + 1) * CHUNK
CPW = NCHUNKS // NW
NP = 10240
RPS = NP // NSUB
BLK = 1024
NB = NP // BLK


def _build_sc_aggregate(with_cnt):
    mesh = plsc.VectorSubcoreMesh(core_axis_name="c", subcore_axis_name="s")
    out_type = [jax.ShapeDtypeStruct((NCORES * NP, D), jnp.float32)]
    scratch_types = [
        pltpu.VMEM((CHUNK,), jnp.int32),
        pltpu.VMEM((CHUNK,), jnp.int32),
        pltpu.VMEM((CHUNK,), jnp.int32),
        pltpu.VMEM((CHUNK, D), jnp.float32),
        pltpu.VMEM_SHARED((NP, D), jnp.float32),
        pltpu.SemaphoreType.DMA,
        pltpu.SemaphoreType.DMA,
        pltpu.SemaphoreType.DMA,
    ]
    if with_cnt:
        out_type.append(jax.ShapeDtypeStruct((NW, NP), jnp.float32))
        scratch_types.append(pltpu.VMEM((NP,), jnp.float32))

    def body(table_hbm, src_hbm, dst_hbm, zacc_hbm, *rest):
        if with_cnt:
            (out_hbm, outcnt_hbm, src_v, dst0_v, dst1_v, rows_v, acc_sh, sem,
             isem, ssem, cnt_v) = rest
        else:
            (out_hbm, src_v, dst0_v, dst1_v, rows_v, acc_sh, sem, isem,
             ssem) = rest
            outcnt_hbm = cnt_v = None

        cid = lax.axis_index("c")
        sid = lax.axis_index("s")
        wid = sid * NCORES + cid
        base = wid * CPW
        dslots = [dst0_v, dst1_v]

        def _idx_start(j, dv):
            off = (base + j) * CHUNK
            pltpu.make_async_copy(src_hbm.at[pl.ds(off, CHUNK)], src_v,
                                  isem).start()
            pltpu.make_async_copy(dst_hbm.at[pl.ds(off, CHUNK)], dv,
                                  isem).start()

        def _idx_wait(dv):
            pltpu.make_async_copy(src_hbm.at[pl.ds(0, CHUNK)], src_v,
                                  isem).wait()
            pltpu.make_async_copy(dst_hbm.at[pl.ds(0, CHUNK)], dv,
                                  isem).wait()

        pltpu.make_async_copy(rows_v, acc_sh.at[pl.ds(NP - CHUNK, CHUNK)],
                              ssem).start()
        _idx_start(0, dst0_v)

        pltpu.sync_copy(zacc_hbm.at[pl.ds(sid * RPS, RPS)],
                        acc_sh.at[pl.ds(sid * RPS, RPS)])
        if with_cnt:
            @pl.loop(0, NP, step=16)
            def _(i):
                cnt_v[pl.ds(i, 16)] = jnp.zeros((16,), jnp.float32)
        plsc.subcore_barrier()

        def _chunk(j, dv, dv_next):
            _idx_wait(dv)
            pltpu.make_async_copy(rows_v, acc_sh.at[pl.ds(NP - CHUNK, CHUNK)],
                                  ssem).wait()
            gather = pltpu.make_async_copy(table_hbm.at[src_v], rows_v, sem)
            gather.start()
            if with_cnt:
                for k in range(CHUNK // 16):
                    plsc.addupdate_scatter(
                        cnt_v, [dv[pl.ds(k * 16, 16)]],
                        jnp.ones((16,), jnp.float32))
            gather.wait()
            pltpu.async_copy(rows_v, acc_sh.at[dv], ssem, add=True)
            _idx_start(j + 1, dv_next)

        @pl.loop(0, CPW, step=2)
        def _(jj):
            _chunk(jj, dst0_v, dst1_v)
            _chunk(jj + 1, dst1_v, dst0_v)

        pltpu.make_async_copy(rows_v, acc_sh.at[pl.ds(NP - CHUNK, CHUNK)],
                              ssem).wait()
        _idx_wait(dst0_v)
        plsc.subcore_barrier()

        pltpu.sync_copy(acc_sh.at[pl.ds(sid * RPS, RPS)],
                        out_hbm.at[pl.ds(cid * NP + sid * RPS, RPS)])
        if with_cnt:
            pltpu.sync_copy(cnt_v, outcnt_hbm.at[wid])

    cp = pltpu.CompilerParams()
    if with_cnt and "needs_layout_passes" in pltpu.CompilerParams.__dataclass_fields__:
        cp = dataclasses.replace(cp, needs_layout_passes=False)
    return pl.kernel(body, out_type=out_type, mesh=mesh,
                     scratch_types=scratch_types, compiler_params=cp)


_sc_agg_cnt = _build_sc_aggregate(with_cnt=True)
_sc_agg = _build_sc_aggregate(with_cnt=False)


def _tc_layer(aggflat, cntp, xp, W_l, W_r, b, relu):

    def body(agg0_ref, agg1_ref, cnt_ref, x_ref, wl_ref, wr_ref, b_ref, o_ref):
        cnt = jnp.sum(cnt_ref[...], axis=0)[:, None]
        inv = 1.0 / jnp.maximum(cnt, 1.0)
        mean = (agg0_ref[...] + agg1_ref[...]) * inv
        y = (jnp.dot(mean, wl_ref[...], preferred_element_type=jnp.float32)
             + jnp.dot(x_ref[...], wr_ref[...], preferred_element_type=jnp.float32)
             + b_ref[...])
        if relu:
            y = jnp.maximum(y, 0.0)
        o_ref[...] = y

    return pl.pallas_call(
        body,
        grid=(NB,),
        in_specs=[
            pl.BlockSpec((BLK, D), lambda i: (i, 0)),
            pl.BlockSpec((BLK, D), lambda i: (NB + i, 0)),
            pl.BlockSpec((NW, BLK), lambda i: (0, i)),
            pl.BlockSpec((BLK, D), lambda i: (i, 0)),
            pl.BlockSpec((D, D), lambda i: (0, 0)),
            pl.BlockSpec((D, D), lambda i: (0, 0)),
            pl.BlockSpec((1, D), lambda i: (0, 0)),
        ],
        out_specs=pl.BlockSpec((BLK, D), lambda i: (i, 0)),
        out_shape=jax.ShapeDtypeStruct((NP, D), jnp.float32),
    )(aggflat, aggflat, cntp, xp, W_l, W_r, b.reshape(1, D))


def kernel(x, edge_index, W1_l, W1_r, b1, W2_l, W2_r, b2):
    src = edge_index[0].astype(jnp.int32)
    dst = edge_index[1].astype(jnp.int32)
    pad = EP - E
    src_p = jnp.concatenate([src, jnp.zeros((pad,), jnp.int32)])
    dst_p = jnp.concatenate([dst, jnp.full((pad,), N, jnp.int32)])

    x_pad = jnp.pad(x, ((0, NP - N), (0, 0)))
    zacc = jnp.zeros((NP, D), jnp.float32)

    agg1, cntp = _sc_agg_cnt(x_pad, src_p, dst_p, zacc)
    h = _tc_layer(agg1, cntp, x_pad, W1_l, W1_r, b1, relu=True)
    (agg2,) = _sc_agg(h, src_p, dst_p, zacc)
    out = _tc_layer(agg2, cntp, h, W2_l, W2_r, b2, relu=False)
    return out[:N]

# --- scband reference (transcript-rebuilt; emitter-appended) ---
"""Pipeline reference for scband-graph-sagemodel-26817775796491 (READ-ONLY COPY).

The authoritative reference and input builder live on the scoring server;
editing this copy changes nothing except your own understanding.
"""

import jax, jax.numpy as jnp
import numpy as np

N = 10000
E = 320000
D = 128
H = 128
O = 128


def setup_inputs(seed: int = 0) -> dict:
    key = jax.random.key(seed)
    ks = jax.random.split(key, 9)
    x = jax.random.normal(ks[0], (N, D), dtype=jnp.float32)
    edge_index = jax.random.randint(ks[1], (2, E), 0, N, dtype=jnp.int64)
    s = 0.05
    W1_l = jax.random.normal(ks[2], (D, H), dtype=jnp.float32) * s
    W1_r = jax.random.normal(ks[3], (D, H), dtype=jnp.float32) * s
    b1 = jax.random.normal(ks[4], (H,), dtype=jnp.float32) * s
    W2_l = jax.random.normal(ks[5], (H, O), dtype=jnp.float32) * s
    W2_r = jax.random.normal(ks[6], (H, O), dtype=jnp.float32) * s
    b2 = jax.random.normal(ks[7], (O,), dtype=jnp.float32) * s
    return {"x": x, "edge_index": edge_index,
            "W1_l": W1_l, "W1_r": W1_r, "b1": b1,
            "W2_l": W2_l, "W2_r": W2_r, "b2": b2}


def _sage_conv(x, edge_index, W_l, W_r, b):
    # PyG SAGEConv (mean aggregation):
    #   out = lin_l(mean_{j in N(i)} x_j) + lin_r(x_i)
    src = edge_index[0]
    dst = edge_index[1]
    msgs = jnp.take(x, src, axis=0)                      # gather  [E, d]
    agg = jax.ops.segment_sum(msgs, dst, num_segments=x.shape[0])  # scatter-add
    cnt = jax.ops.segment_sum(jnp.ones((edge_index.shape[1],), dtype=x.dtype),
                              dst, num_segments=x.shape[0])
    mean = agg / jnp.clip(cnt, 1.0, None)[:, None]
    return mean @ W_l + x @ W_r + b


def reference(x, edge_index, W1_l, W1_r, b1, W2_l, W2_r, b2):
    h = _sage_conv(x, edge_index, W1_l, W1_r, b1)
    h = jax.nn.relu(h)
    # dropout p=0.5 is identity in eval mode (self.training == False)
    out = _sage_conv(h, edge_index, W2_l, W2_r, b2)
    return out

if __name__ == "__main__":
    import jax
    _d = setup_inputs()
    print(jax.jit(kernel)(*tuple(_d.values())))

</pallas_src>

<mosaic_0001>
#map = affine_map<(d0, d1) -> (0, 0)>
#map1 = affine_map<(d0, d1) -> (0)>
module attributes {stable_mosaic.version = 14 : i64} {
  func.func @body(%arg0: i32, %arg1: i32, %arg2: memref<10240x128xf32, #tpu.memory_space<hbm>>, %arg3: memref<327808xi32, #tpu.memory_space<hbm>>, %arg4: memref<327808xi32, #tpu.memory_space<hbm>>, %arg5: memref<10240x128xf32, #tpu.memory_space<hbm>>, %arg6: memref<20480x128xf32, #tpu.memory_space<hbm>>, %arg7: memref<32x10240xf32, #tpu.memory_space<hbm>>, %arg8: memref<128xi32, #tpu.memory_space<vmem>>, %arg9: memref<128xi32, #tpu.memory_space<vmem>>, %arg10: memref<128xi32, #tpu.memory_space<vmem>>, %arg11: memref<128x128xf32, #tpu.memory_space<vmem>>, %arg12: memref<10240x128xf32, #tpu.memory_space<vmem_shared>>, %arg13: memref<!tpu.dma_semaphore, #tpu.memory_space<semaphore_mem>>, %arg14: memref<!tpu.dma_semaphore, #tpu.memory_space<semaphore_mem>>, %arg15: memref<!tpu.dma_semaphore, #tpu.memory_space<semaphore_mem>>, %arg16: memref<10240xf32, #tpu.memory_space<vmem>>) attributes {dimension_semantics = [#tpu.dimension_semantics<core_parallel>, #tpu.dimension_semantics<subcore_parallel>], iteration_bounds = array<i64: 2, 16>, scalar_prefetch = 0 : i64, scratch_operands = 9 : i64, tpu.core_type = #tpu.core_type<sc_vector_subcore>, window_params = [{transform_indices = #map}, {transform_indices = #map1}, {transform_indices = #map1}, {transform_indices = #map}, {transform_indices = #map}, {transform_indices = #map}]} {
    %mul3A = arith.constant 2 : i32
    %mul3A_0 = arith.muli %arg1, %mul3A : i32
    %add3A = arith.addi %mul3A_0, %arg0 : i32
    %mul3A_1 = arith.constant 80 : i32
    %mul3A_2 = arith.muli %add3A, %mul3A_1 : i32
    %dma_start3A = arith.constant 10112 : i32
    %dma_start3A_3 = arith.constant 0 : i32
    %dma_start3A_4 = tpu.memref_slice %arg12[%dma_start3A, %dma_start3A_3] : memref<10240x128xf32, #tpu.memory_space<vmem_shared>> -> memref<128x128xf32, #tpu.memory_space<vmem_shared>>
    %dma_start3A_5 = arith.constant 10112 : i32
    %dma_start3A_6 = arith.constant 0 : i32
    %dma_start3A_7 = tpu.memref_slice %arg12[%dma_start3A_5, %dma_start3A_6] : memref<10240x128xf32, #tpu.memory_space<vmem_shared>> -> memref<128x128xf32, #tpu.memory_space<vmem_shared>>
    tpu.enqueue_dma source(%arg11 : memref<128x128xf32, #tpu.memory_space<vmem>>) target(%dma_start3A_7 : memref<128x128xf32, #tpu.memory_space<vmem_shared>>) target_semaphore(%arg15 : memref<!tpu.dma_semaphore, #tpu.memory_space<semaphore_mem>>)
    %add3A_8 = arith.constant 0 : i32
    %add3A_9 = arith.addi %mul3A_2, %add3A_8 : i32
    %mul3A_10 = arith.constant 128 : i32
    %mul3A_11 = arith.muli %add3A_9, %mul3A_10 : i32
    %dma_start3A_12 = tpu.memref_slice %arg3[%mul3A_11] : memref<327808xi32, #tpu.memory_space<hbm>> -> memref<128xi32, #tpu.memory_space<hbm>>
    %dma_start3A_13 = tpu.memref_slice %arg3[%mul3A_11] : memref<327808xi32, #tpu.memory_space<hbm>> -> memref<128xi32, #tpu.memory_space<hbm>>
    tpu.enqueue_dma source(%dma_start3A_13 : memref<128xi32, #tpu.memory_space<hbm>>) target(%arg8 : memref<128xi32, #tpu.memory_space<vmem>>) target_semaphore(%arg14 : memref<!tpu.dma_semaphore, #tpu.memory_space<semaphore_mem>>)
    %dma_start3A_14 = tpu.memref_slice %arg4[%mul3A_11] : memref<327808xi32, #tpu.memory_space<hbm>> -> memref<128xi32, #tpu.memory_space<hbm>>
    %dma_start3A_15 = tpu.memref_slice %arg4[%mul3A_11] : memref<327808xi32, #tpu.memory_space<hbm>> -> memref<128xi32, #tpu.memory_space<hbm>>
    tpu.enqueue_dma source(%dma_start3A_15 : memref<128xi32, #tpu.memory_space<hbm>>) target(%arg9 : memref<128xi32, #tpu.memory_space<vmem>>) target_semaphore(%arg14 : memref<!tpu.dma_semaphore, #tpu.memory_space<semaphore_mem>>)
    %mul3A_16 = arith.constant 640 : i32
    %mul3A_17 = arith.muli %arg1, %mul3A_16 : i32
    %mul3A_18 = arith.constant 640 : i32
    %mul3A_19 = arith.muli %arg1, %mul3A_18 : i32
    "tpu.region"() ({
      %run_scoped3A = tpu.sem_alloc : memref<!tpu.dma_semaphore, #tpu.memory_space<semaphore_mem>>
      %dma_start3A_50 = arith.constant 0 : i32
      %dma_start3A_51 = tpu.memref_slice %arg12[%mul3A_19, %dma_start3A_50] : memref<10240x128xf32, #tpu.memory_space<vmem_shared>> -> memref<640x128xf32, #tpu.memory_space<vmem_shared>>
      %dma_start3A_52 = arith.constant 0 : i32
      %dma_start3A_53 = tpu.memref_slice %arg5[%mul3A_17, %dma_start3A_52] : memref<10240x128xf32, #tpu.memory_space<hbm>> -> memref<640x128xf32, #tpu.memory_space<hbm>>
      tpu.enqueue_dma source(%dma_start3A_53 : memref<640x128xf32, #tpu.memory_space<hbm>>) target(%dma_start3A_51 : memref<640x128xf32, #tpu.memory_space<vmem_shared>>) target_semaphore(%run_scoped3A : memref<!tpu.dma_semaphore, #tpu.memory_space<semaphore_mem>>)
      %dma_wait3A_54 = arith.constant 0 : i32
      %dma_wait3A_55 = tpu.memref_slice %arg12[%mul3A_19, %dma_wait3A_54] : memref<10240x128xf32, #tpu.memory_space<vmem_shared>> -> memref<640x128xf32, #tpu.memory_space<vmem_shared>>
      %dma_wait3A_56 = arith.constant 0 : i32
      %dma_wait3A_57 = tpu.memref_slice %arg5[%mul3A_17, %dma_wait3A_56] : memref<10240x128xf32, #tpu.memory_space<hbm>> -> memref<640x128xf32, #tpu.memory_space<hbm>>
      tpu.wait_dma2 semaphore(%run_scoped3A : memref<!tpu.dma_semaphore, #tpu.memory_space<semaphore_mem>>) src(%dma_wait3A_57 : memref<640x128xf32, #tpu.memory_space<hbm>>) dst(%dma_wait3A_55 : memref<640x128xf32, #tpu.memory_space<vmem_shared>>)
      tpu.yield
    }) : () -> ()
    %scan3A = arith.constant 0 : i32
    %scan3A_20 = arith.constant 640 : i32
    %scan3A_21 = arith.addi %scan3A, %scan3A_20 : i32
    %scan3A_22 = arith.constant 1 : i32
    scf.for %scan3A_50 = %scan3A to %scan3A_21 step %scan3A_22  : i32 {
      %mul3A_51 = arith.constant 16 : i32
      %mul3A_52 = arith.muli %scan3A_50, %mul3A_51 : i32
      %add3A_53 = arith.constant 0 : i32
      %add3A_54 = arith.addi %add3A_53, %mul3A_52 : i32
      %broadcast_in_dim3A = arith.constant 0.000000e+00 : f32
      %broadcast_in_dim3A_55 = vector.broadcast %broadcast_in_dim3A : f32 to vector<16xf32>
      %swap3A = arith.index_cast %add3A_54 : i32 to index
      %swap3A_56 = tpu.vector_load %arg16[%swap3A] {strides = array<i32>} : memref<10240xf32, #tpu.memory_space<vmem>>, vector<16xf32>,
      tpu.vector_store %arg16[%swap3A], %broadcast_in_dim3A_55 {strides = array<i32>} : memref<10240xf32, #tpu.memory_space<vmem>>, vector<16xf32>,
    }
    %scan3A_23 = arith.constant 640 : i32
    %barrier3A = arith.constant 0 : index
    tpu.barrier barrier_id(%barrier3A)
    %scan3A_24 = arith.constant 0 : i32
    %scan3A_25 = arith.constant 40 : i32
    %scan3A_26 = arith.addi %scan3A_24, %scan3A_25 : i32
    %scan3A_27 = arith.constant 1 : i32
    scf.for %scan3A_50 = %scan3A_24 to %scan3A_26 step %scan3A_27  : i32 {
      %mul3A_51 = arith.constant 2 : i32
      %mul3A_52 = arith.muli %scan3A_50, %mul3A_51 : i32
      %add3A_53 = arith.constant 0 : i32
      %add3A_54 = arith.addi %add3A_53, %mul3A_52 : i32
      %dma_wait3A_55 = arith.constant 0 : i32
      %dma_wait3A_56 = tpu.memref_slice %arg3[%dma_wait3A_55] : memref<327808xi32, #tpu.memory_space<hbm>> -> memref<128xi32, #tpu.memory_space<hbm>>
      %dma_wait3A_57 = arith.constant 0 : i32
      %dma_wait3A_58 = tpu.memref_slice %arg3[%dma_wait3A_57] : memref<327808xi32, #tpu.memory_space<hbm>> -> memref<128xi32, #tpu.memory_space<hbm>>
      tpu.wait_dma2 semaphore(%arg14 : memref<!tpu.dma_semaphore, #tpu.memory_space<semaphore_mem>>) src(%dma_wait3A_58 : memref<128xi32, #tpu.memory_space<hbm>>) dst(%arg8 : memref<128xi32, #tpu.memory_space<vmem>>)
      %dma_wait3A_59 = arith.constant 0 : i32
      %dma_wait3A_60 = tpu.memref_slice %arg4[%dma_wait3A_59] : memref<327808xi32, #tpu.memory_space<hbm>> -> memref<128xi32, #tpu.memory_space<hbm>>
      %dma_wait3A_61 = arith.constant 0 : i32
      %dma_wait3A_62 = tpu.memref_slice %arg4[%dma_wait3A_61] : memref<327808xi32, #tpu.memory_space<hbm>> -> memref<128xi32, #tpu.memory_space<hbm>>
      tpu.wait_dma2 semaphore(%arg14 : memref<!tpu.dma_semaphore, #tpu.memory_space<semaphore_mem>>) src(%dma_wait3A_62 : memref<128xi32, #tpu.memory_space<hbm>>) dst(%arg9 : memref<128xi32, #tpu.memory_space<vmem>>)
      %dma_wait3A_63 = arith.constant 10112 : i32
      %dma_wait3A_64 = arith.constant 0 : i32
      %dma_wait3A_65 = tpu.memref_slice %arg12[%dma_wait3A_63, %dma_wait3A_64] : memref<10240x128xf32, #tpu.memory_space<vmem_shared>> -> memref<128x128xf32, #tpu.memory_space<vmem_shared>>
      %dma_wait3A_66 = arith.constant 10112 : i32
      %dma_wait3A_67 = arith.constant 0 : i32
      %dma_wait3A_68 = tpu.memref_slice %arg12[%dma_wait3A_66, %dma_wait3A_67] : memref<10240x128xf32, #tpu.memory_space<vmem_shared>> -> memref<128x128xf32, #tpu.memory_space<vmem_shared>>
      tpu.wait_dma2 semaphore(%arg15 : memref<!tpu.dma_semaphore, #tpu.memory_space<semaphore_mem>>) src(%arg11 : memref<128x128xf32, #tpu.memory_space<vmem>>) dst(%dma_wait3A_68 : memref<128x128xf32, #tpu.memory_space<vmem_shared>>)
      %dma_start3A_69 = arith.constant 0 : i32
      %dma_start3A_70 = arith.constant 0 : i32
      %dma_start3A_71 = tpu.memref_slice %arg2[%dma_start3A_69, %dma_start3A_70] : memref<10240x128xf32, #tpu.memory_space<hbm>> -> memref<10240x128xf32, #tpu.memory_space<hbm>>
      tpu.enqueue_indirect_dma source(%dma_start3A_71 : memref<10240x128xf32, #tpu.memory_space<hbm>>) target(%arg11 : memref<128x128xf32, #tpu.memory_space<vmem>>) offsets(%arg8 : memref<128xi32, #tpu.memory_space<vmem>>) semaphore(%arg13 : memref<!tpu.dma_semaphore, #tpu.memory_space<semaphore_mem>>)
      %get3A = arith.constant 0 : index
      %get3A_72 = tpu.vector_load %arg9[%get3A] {strides = array<i32>} : memref<128xi32, #tpu.memory_space<vmem>>, vector<16xi32>,
      %broadcast_in_dim3A = arith.constant 1.000000e+00 : f32
      %broadcast_in_dim3A_73 = vector.broadcast %broadcast_in_dim3A : f32 to vector<16xf32>
      tpu.vector_store_idx %arg16[%get3A_72], %broadcast_in_dim3A_73 {add = true} : memref<10240xf32, #tpu.memory_space<vmem>>[vector<16xi32>], vector<16xf32>,
      %get3A_74 = arith.constant 16 : index
      %get3A_75 = tpu.vector_load %arg9[%get3A_74] {strides = array<i32>} : memref<128xi32, #tpu.memory_space<vmem>>, vector<16xi32>,
      %broadcast_in_dim3A_76 = arith.constant 1.000000e+00 : f32
      %broadcast_in_dim3A_77 = vector.broadcast %broadcast_in_dim3A_76 : f32 to vector<16xf32>
      tpu.vector_store_idx %arg16[%get3A_75], %broadcast_in_dim3A_77 {add = true} : memref<10240xf32, #tpu.memory_space<vmem>>[vector<16xi32>], vector<16xf32>,
      %get3A_78 = arith.constant 32 : index
      %get3A_79 = tpu.vector_load %arg9[%get3A_78] {strides = array<i32>} : memref<128xi32, #tpu.memory_space<vmem>>, vector<16xi32>,
      %broadcast_in_dim3A_80 = arith.constant 1.000000e+00 : f32
      %broadcast_in_dim3A_81 = vector.broadcast %broadcast_in_dim3A_80 : f32 to vector<16xf32>
      tpu.vector_store_idx %arg16[%get3A_79], %broadcast_in_dim3A_81 {add = true} : memref<10240xf32, #tpu.memory_space<vmem>>[vector<16xi32>], vector<16xf32>,
      %get3A_82 = arith.constant 48 : index
      %get3A_83 = tpu.vector_load %arg9[%get3A_82] {strides = array<i32>} : memref<128xi32, #tpu.memory_space<vmem>>, vector<16xi32>,
      %broadcast_in_dim3A_84 = arith.constant 1.000000e+00 : f32
      %broadcast_in_dim3A_85 = vector.broadcast %broadcast_in_dim3A_84 : f32 to vector<16xf32>
      tpu.vector_store_idx %arg16[%get3A_83], %broadcast_in_dim3A_85 {add = true} : memref<10240xf32, #tpu.memory_space<vmem>>[vector<16xi32>], vector<16xf32>,
      %get3A_86 = arith.constant 64 : index
      %get3A_87 = tpu.vector_load %arg9[%get3A_86] {strides = array<i32>} : memref<128xi32, #tpu.memory_space<vmem>>, vector<16xi32>,
      %broadcast_in_dim3A_88 = arith.constant 1.000000e+00 : f32
      %broadcast_in_dim3A_89 = vector.broadcast %broadcast_in_dim3A_88 : f32 to vector<16xf32>
      tpu.vector_store_idx %arg16[%get3A_87], %broadcast_in_dim3A_89 {add = true} : memref<10240xf32, #tpu.memory_space<vmem>>[vector<16xi32>], vector<16xf32>,
      %get3A_90 = arith.constant 80 : index
      %get3A_91 = tpu.vector_load %arg9[%get3A_90] {strides = array<i32>} : memref<128xi32, #tpu.memory_space<vmem>>, vector<16xi32>,
      %broadcast_in_dim3A_92 = arith.constant 1.000000e+00 : f32
      %broadcast_in_dim3A_93 = vector.broadcast %broadcast_in_dim3A_92 : f32 to vector<16xf32>
      tpu.vector_store_idx %arg16[%get3A_91], %broadcast_in_dim3A_93 {add = true} : memref<10240xf32, #tpu.memory_space<vmem>>[vector<16xi32>], vector<16xf32>,
      %get3A_94 = arith.constant 96 : index
      %get3A_95 = tpu.vector_load %arg9[%get3A_94] {strides = array<i32>} : memref<128xi32, #tpu.memory_space<vmem>>, vector<16xi32>,
      %broadcast_in_dim3A_96 = arith.constant 1.000000e+00 : f32
      %broadcast_in_dim3A_97 = vector.broadcast %broadcast_in_dim3A_96 : f32 to vector<16xf32>
      tpu.vector_store_idx %arg16[%get3A_95], %broadcast_in_dim3A_97 {add = true} : memref<10240xf32, #tpu.memory_space<vmem>>[vector<16xi32>], vector<16xf32>,
      %get3A_98 = arith.constant 112 : index
      %get3A_99 = tpu.vector_load %arg9[%get3A_98] {strides = array<i32>} : memref<128xi32, #tpu.memory_space<vmem>>, vector<16xi32>,
      %broadcast_in_dim3A_100 = arith.constant 1.000000e+00 : f32
      %broadcast_in_dim3A_101 = vector.broadcast %broadcast_in_dim3A_100 : f32 to vector<16xf32>
      tpu.vector_store_idx %arg16[%get3A_99], %broadcast_in_dim3A_101 {add = true} : memref<10240xf32, #tpu.memory_space<vmem>>[vector<16xi32>], vector<16xf32>,
      %dma_wait3A_102 = arith.constant 0 : i32
      %dma_wait3A_103 = arith.constant 0 : i32
      %dma_wait3A_104 = tpu.memref_slice %arg2[%dma_wait3A_102, %dma_wait3A_103] : memref<10240x128xf32, #tpu.memory_space<hbm>> -> memref<10240x128xf32, #tpu.memory_space<hbm>>
      tpu.wait_indirect_dma semaphore(%arg13 : memref<!tpu.dma_semaphore, #tpu.memory_space<semaphore_mem>>) src(%dma_wait3A_104 : memref<10240x128xf32, #tpu.memory_space<hbm>>) dst(%arg11 : memref<128x128xf32, #tpu.memory_space<vmem>>)
      %dma_start3A_105 = arith.constant 0 : i32
      %dma_start3A_106 = arith.constant 0 : i32
      %dma_start3A_107 = tpu.memref_slice %arg12[%dma_start3A_105, %dma_start3A_106] : memref<10240x128xf32, #tpu.memory_space<vmem_shared>> -> memref<10240x128xf32, #tpu.memory_space<vmem_shared>>
      tpu.enqueue_indirect_dma source(%arg11 : memref<128x128xf32, #tpu.memory_space<vmem>>) target(%dma_start3A_107 : memref<10240x128xf32, #tpu.memory_space<vmem_shared>>) offsets(%arg9 : memref<128xi32, #tpu.memory_space<vmem>>) semaphore(%arg15 : memref<!tpu.dma_semaphore, #tpu.memory_space<semaphore_mem>>) {add = true}
      %add3A_108 = arith.constant 1 : i32
      %add3A_109 = arith.addi %add3A_54, %add3A_108 : i32
      %add3A_110 = arith.addi %mul3A_2, %add3A_109 : i32
      %mul3A_111 = arith.constant 128 : i32
      %mul3A_112 = arith.muli %add3A_110, %mul3A_111 : i32
      %dma_start3A_113 = tpu.memref_slice %arg3[%mul3A_112] : memref<327808xi32, #tpu.memory_space<hbm>> -> memref<128xi32, #tpu.memory_space<hbm>>
      %dma_start3A_114 = tpu.memref_slice %arg3[%mul3A_112] : memref<327808xi32, #tpu.memory_space<hbm>> -> memref<128xi32, #tpu.memory_space<hbm>>
      tpu.enqueue_dma source(%dma_start3A_114 : memref<128xi32, #tpu.memory_space<hbm>>) target(%arg8 : memref<128xi32, #tpu.memory_space<vmem>>) target_semaphore(%arg14 : memref<!tpu.dma_semaphore, #tpu.memory_space<semaphore_mem>>)
      %dma_start3A_115 = tpu.memref_slice %arg4[%mul3A_112] : memref<327808xi32, #tpu.memory_space<hbm>> -> memref<128xi32, #tpu.memory_space<hbm>>
      %dma_start3A_116 = tpu.memref_slice %arg4[%mul3A_112] : memref<327808xi32, #tpu.memory_space<hbm>> -> memref<128xi32, #tpu.memory_space<hbm>>
      tpu.enqueue_dma source(%dma_start3A_116 : memref<128xi32, #tpu.memory_space<hbm>>) target(%arg10 : memref<128xi32, #tpu.memory_space<vmem>>) target_semaphore(%arg14 : memref<!tpu.dma_semaphore, #tpu.memory_space<semaphore_mem>>)
      %add3A_117 = arith.constant 1 : i32
      %add3A_118 = arith.addi %add3A_54, %add3A_117 : i32
      %dma_wait3A_119 = arith.constant 0 : i32
      %dma_wait3A_120 = tpu.memref_slice %arg3[%dma_wait3A_119] : memref<327808xi32, #tpu.memory_space<hbm>> -> memref<128xi32, #tpu.memory_space<hbm>>
      %dma_wait3A_121 = arith.constant 0 : i32
      %dma_wait3A_122 = tpu.memref_slice %arg3[%dma_wait3A_121] : memref<327808xi32, #tpu.memory_space<hbm>> -> memref<128xi32, #tpu.memory_space<hbm>>
      tpu.wait_dma2 semaphore(%arg14 : memref<!tpu.dma_semaphore, #tpu.memory_space<semaphore_mem>>) src(%dma_wait3A_122 : memref<128xi32, #tpu.memory_space<hbm>>) dst(%arg8 : memref<128xi32, #tpu.memory_space<vmem>>)
      %dma_wait3A_123 = arith.constant 0 : i32
      %dma_wait3A_124 = tpu.memref_slice %arg4[%dma_wait3A_123] : memref<327808xi32, #tpu.memory_space<hbm>> -> memref<128xi32, #tpu.memory_space<hbm>>
      %dma_wait3A_125 = arith.constant 0 : i32
      %dma_wait3A_126 = tpu.memref_slice %arg4[%dma_wait3A_125] : memref<327808xi32, #tpu.memory_space<hbm>> -> memref<128xi32, #tpu.memory_space<hbm>>
      tpu.wait_dma2 semaphore(%arg14 : memref<!tpu.dma_semaphore, #tpu.memory_space<semaphore_mem>>) src(%dma_wait3A_126 : memref<128xi32, #tpu.memory_space<hbm>>) dst(%arg10 : memref<128xi32, #tpu.memory_space<vmem>>)
      %dma_wait3A_127 = arith.constant 10112 : i32
      %dma_wait3A_128 = arith.constant 0 : i32
      %dma_wait3A_129 = tpu.memref_slice %arg12[%dma_wait3A_127, %dma_wait3A_128] : memref<10240x128xf32, #tpu.memory_space<vmem_shared>> -> memref<128x128xf32, #tpu.memory_space<vmem_shared>>
      %dma_wait3A_130 = arith.constant 10112 : i32
      %dma_wait3A_131 = arith.constant 0 : i32
      %dma_wait3A_132 = tpu.memref_slice %arg12[%dma_wait3A_130, %dma_wait3A_131] : memref<10240x128xf32, #tpu.memory_space<vmem_shared>> -> memref<128x128xf32, #tpu.memory_space<vmem_shared>>
      tpu.wait_dma2 semaphore(%arg15 : memref<!tpu.dma_semaphore, #tpu.memory_space<semaphore_mem>>) src(%arg11 : memref<128x128xf32, #tpu.memory_space<vmem>>) dst(%dma_wait3A_132 : memref<128x128xf32, #tpu.memory_space<vmem_shared>>)
      %dma_start3A_133 = arith.constant 0 : i32
      %dma_start3A_134 = arith.constant 0 : i32
      %dma_start3A_135 = tpu.memref_slice %arg2[%dma_start3A_133, %dma_start3A_134] : memref<10240x128xf32, #tpu.memory_space<hbm>> -> memref<10240x128xf32, #tpu.memory_space<hbm>>
      tpu.enqueue_indirect_dma source(%dma_start3A_135 : memref<10240x128xf32, #tpu.memory_space<hbm>>) target(%arg11 : memref<128x128xf32, #tpu.memory_space<vmem>>) offsets(%arg8 : memref<128xi32, #tpu.memory_space<vmem>>) semaphore(%arg13 : memref<!tpu.dma_semaphore, #tpu.memory_space<semaphore_mem>>)
      %get3A_136 = arith.constant 0 : index
      %get3A_137 = tpu.vector_load %arg10[%get3A_136] {strides = array<i32>} : memref<128xi32, #tpu.memory_space<vmem>>, vector<16xi32>,
      %broadcast_in_dim3A_138 = arith.constant 1.000000e+00 : f32
      %broadcast_in_dim3A_139 = vector.broadcast %broadcast_in_dim3A_138 : f32 to vector<16xf32>
      tpu.vector_store_idx %arg16[%get3A_137], %broadcast_in_dim3A_139 {add = true} : memref<10240xf32, #tpu.memory_space<vmem>>[vector<16xi32>], vector<16xf32>,
      %get3A_140 = arith.constant 16 : index
      %get3A_141 = tpu.vector_load %arg10[%get3A_140] {strides = array<i32>} : memref<128xi32, #tpu.memory_space<vmem>>, vector<16xi32>,
      %broadcast_in_dim3A_142 = arith.constant 1.000000e+00 : f32
      %broadcast_in_dim3A_143 = vector.broadcast %broadcast_in_dim3A_142 : f32 to vector<16xf32>
      tpu.vector_store_idx %arg16[%get3A_141], %broadcast_in_dim3A_143 {add = true} : memref<10240xf32, #tpu.memory_space<vmem>>[vector<16xi32>], vector<16xf32>,
      %get3A_144 = arith.constant 32 : index
      %get3A_145 = tpu.vector_load %arg10[%get3A_144] {strides = array<i32>} : memref<128xi32, #tpu.memory_space<vmem>>, vector<16xi32>,
      %broadcast_in_dim3A_146 = arith.constant 1.000000e+00 : f32
      %broadcast_in_dim3A_147 = vector.broadcast %broadcast_in_dim3A_146 : f32 to vector<16xf32>
      tpu.vector_store_idx %arg16[%get3A_145], %broadcast_in_dim3A_147 {add = true} : memref<10240xf32, #tpu.memory_space<vmem>>[vector<16xi32>], vector<16xf32>,
      %get3A_148 = arith.constant 48 : index
      %get3A_149 = tpu.vector_load %arg10[%get3A_148] {strides = array<i32>} : memref<128xi32, #tpu.memory_space<vmem>>, vector<16xi32>,
      %broadcast_in_dim3A_150 = arith.constant 1.000000e+00 : f32
      %broadcast_in_dim3A_151 = vector.broadcast %broadcast_in_dim3A_150 : f32 to vector<16xf32>
      tpu.vector_store_idx %arg16[%get3A_149], %broadcast_in_dim3A_151 {add = true} : memref<10240xf32, #tpu.memory_space<vmem>>[vector<16xi32>], vector<16xf32>,
      %get3A_152 = arith.constant 64 : index
      %get3A_153 = tpu.vector_load %arg10[%get3A_152] {strides = array<i32>} : memref<128xi32, #tpu.memory_space<vmem>>, vector<16xi32>,
      %broadcast_in_dim3A_154 = arith.constant 1.000000e+00 : f32
      %broadcast_in_dim3A_155 = vector.broadcast %broadcast_in_dim3A_154 : f32 to vector<16xf32>
      tpu.vector_store_idx %arg16[%get3A_153], %broadcast_in_dim3A_155 {add = true} : memref<10240xf32, #tpu.memory_space<vmem>>[vector<16xi32>], vector<16xf32>,
      %get3A_156 = arith.constant 80 : index
      %get3A_157 = tpu.vector_load %arg10[%get3A_156] {strides = array<i32>} : memref<128xi32, #tpu.memory_space<vmem>>, vector<16xi32>,
      %broadcast_in_dim3A_158 = arith.constant 1.000000e+00 : f32
      %broadcast_in_dim3A_159 = vector.broadcast %broadcast_in_dim3A_158 : f32 to vector<16xf32>
      tpu.vector_store_idx %arg16[%get3A_157], %broadcast_in_dim3A_159 {add = true} : memref<10240xf32, #tpu.memory_space<vmem>>[vector<16xi32>], vector<16xf32>,
      %get3A_160 = arith.constant 96 : index
      %get3A_161 = tpu.vector_load %arg10[%get3A_160] {strides = array<i32>} : memref<128xi32, #tpu.memory_space<vmem>>, vector<16xi32>,
      %broadcast_in_dim3A_162 = arith.constant 1.000000e+00 : f32
      %broadcast_in_dim3A_163 = vector.broadcast %broadcast_in_dim3A_162 : f32 to vector<16xf32>
      tpu.vector_store_idx %arg16[%get3A_161], %broadcast_in_dim3A_163 {add = true} : memref<10240xf32, #tpu.memory_space<vmem>>[vector<16xi32>], vector<16xf32>,
      %get3A_164 = arith.constant 112 : index
      %get3A_165 = tpu.vector_load %arg10[%get3A_164] {strides = array<i32>} : memref<128xi32, #tpu.memory_space<vmem>>, vector<16xi32>,
      %broadcast_in_dim3A_166 = arith.constant 1.000000e+00 : f32
      %broadcast_in_dim3A_167 = vector.broadcast %broadcast_in_dim3A_166 : f32 to vector<16xf32>
      tpu.vector_store_idx %arg16[%get3A_165], %broadcast_in_dim3A_167 {add = true} : memref<10240xf32, #tpu.memory_space<vmem>>[vector<16xi32>], vector<16xf32>,
      %dma_wait3A_168 = arith.constant 0 : i32
      %dma_wait3A_169 = arith.constant 0 : i32
      %dma_wait3A_170 = tpu.memref_slice %arg2[%dma_wait3A_168, %dma_wait3A_169] : memref<10240x128xf32, #tpu.memory_space<hbm>> -> memref<10240x128xf32, #tpu.memory_space<hbm>>
      tpu.wait_indirect_dma semaphore(%arg13 : memref<!tpu.dma_semaphore, #tpu.memory_space<semaphore_mem>>) src(%dma_wait3A_170 : memref<10240x128xf32, #tpu.memory_space<hbm>>) dst(%arg11 : memref<128x128xf32, #tpu.memory_space<vmem>>)
      %dma_start3A_171 = arith.constant 0 : i32
      %dma_start3A_172 = arith.constant 0 : i32
      %dma_start3A_173 = tpu.memref_slice %arg12[%dma_start3A_171, %dma_start3A_172] : memref<10240x128xf32, #tpu.memory_space<vmem_shared>> -> memref<10240x128xf32, #tpu.memory_space<vmem_shared>>
      tpu.enqueue_indirect_dma source(%arg11 : memref<128x128xf32, #tpu.memory_space<vmem>>) target(%dma_start3A_173 : memref<10240x128xf32, #tpu.memory_space<vmem_shared>>) offsets(%arg10 : memref<128xi32, #tpu.memory_space<vmem>>) semaphore(%arg15 : memref<!tpu.dma_semaphore, #tpu.memory_space<semaphore_mem>>) {add = true}
      %add3A_174 = arith.constant 1 : i32
      %add3A_175 = arith.addi %add3A_118, %add3A_174 : i32
      %add3A_176 = arith.addi %mul3A_2, %add3A_175 : i32
      %mul3A_177 = arith.constant 128 : i32
      %mul3A_178 = arith.muli %add3A_176, %mul3A_177 : i32
      %dma_start3A_179 = tpu.memref_slice %arg3[%mul3A_178] : memref<327808xi32, #tpu.memory_space<hbm>> -> memref<128xi32, #tpu.memory_space<hbm>>
      %dma_start3A_180 = tpu.memref_slice %arg3[%mul3A_178] : memref<327808xi32, #tpu.memory_space<hbm>> -> memref<128xi32, #tpu.memory_space<hbm>>
      tpu.enqueue_dma source(%dma_start3A_180 : memref<128xi32, #tpu.memory_space<hbm>>) target(%arg8 : memref<128xi32, #tpu.memory_space<vmem>>) target_semaphore(%arg14 : memref<!tpu.dma_semaphore, #tpu.memory_space<semaphore_mem>>)
      %dma_start3A_181 = tpu.memref_slice %arg4[%mul3A_178] : memref<327808xi32, #tpu.memory_space<hbm>> -> memref<128xi32, #tpu.memory_space<hbm>>
      %dma_start3A_182 = tpu.memref_slice %arg4[%mul3A_178] : memref<327808xi32, #tpu.memory_space<hbm>> -> memref<128xi32, #tpu.memory_space<hbm>>
      tpu.enqueue_dma source(%dma_start3A_182 : memref<128xi32, #tpu.memory_space<hbm>>) target(%arg9 : memref<128xi32, #tpu.memory_space<vmem>>) target_semaphore(%arg14 : memref<!tpu.dma_semaphore, #tpu.memory_space<semaphore_mem>>)
    }
    %scan3A_28 = arith.constant 40 : i32
    %dma_wait3A = arith.constant 10112 : i32
    %dma_wait3A_29 = arith.constant 0 : i32
    %dma_wait3A_30 = tpu.memref_slice %arg12[%dma_wait3A, %dma_wait3A_29] : memref<10240x128xf32, #tpu.memory_space<vmem_shared>> -> memref<128x128xf32, #tpu.memory_space<vmem_shared>>
    %dma_wait3A_31 = arith.constant 10112 : i32
    %dma_wait3A_32 = arith.constant 0 : i32
    %dma_wait3A_33 = tpu.memref_slice %arg12[%dma_wait3A_31, %dma_wait3A_32] : memref<10240x128xf32, #tpu.memory_space<vmem_shared>> -> memref<128x128xf32, #tpu.memory_space<vmem_shared>>
    tpu.wait_dma2 semaphore(%arg15 : memref<!tpu.dma_semaphore, #tpu.memory_space<semaphore_mem>>) src(%arg11 : memref<128x128xf32, #tpu.memory_space<vmem>>) dst(%dma_wait3A_33 : memref<128x128xf32, #tpu.memory_space<vmem_shared>>)
    %dma_wait3A_34 = arith.constant 0 : i32
    %dma_wait3A_35 = tpu.memref_slice %arg3[%dma_wait3A_34] : memref<327808xi32, #tpu.memory_space<hbm>> -> memref<128xi32, #tpu.memory_space<hbm>>
    %dma_wait3A_36 = arith.constant 0 : i32
    %dma_wait3A_37 = tpu.memref_slice %arg3[%dma_wait3A_36] : memref<327808xi32, #tpu.memory_space<hbm>> -> memref<128xi32, #tpu.memory_space<hbm>>
    tpu.wait_dma2 semaphore(%arg14 : memref<!tpu.dma_semaphore, #tpu.memory_space<semaphore_mem>>) src(%dma_wait3A_37 : memref<128xi32, #tpu.memory_space<hbm>>) dst(%arg8 : memref<128xi32, #tpu.memory_space<vmem>>)
    %dma_wait3A_38 = arith.constant 0 : i32
    %dma_wait3A_39 = tpu.memref_slice %arg4[%dma_wait3A_38] : memref<327808xi32, #tpu.memory_space<hbm>> -> memref<128xi32, #tpu.memory_space<hbm>>
    %dma_wait3A_40 = arith.constant 0 : i32
    %dma_wait3A_41 = tpu.memref_slice %arg4[%dma_wait3A_40] : memref<327808xi32, #tpu.memory_space<hbm>> -> memref<128xi32, #tpu.memory_space<hbm>>
    tpu.wait_dma2 semaphore(%arg14 : memref<!tpu.dma_semaphore, #tpu.memory_space<semaphore_mem>>) src(%dma_wait3A_41 : memref<128xi32, #tpu.memory_space<hbm>>) dst(%arg9 : memref<128xi32, #tpu.memory_space<vmem>>)
    %barrier3A_42 = arith.constant 0 : index
    tpu.barrier barrier_id(%barrier3A_42)
    %mul3A_43 = arith.constant 640 : i32
    %mul3A_44 = arith.muli %arg1, %mul3A_43 : i32
    %mul3A_45 = arith.constant 10240 : i32
    %mul3A_46 = arith.muli %arg0, %mul3A_45 : i32
    %mul3A_47 = arith.constant 640 : i32
    %mul3A_48 = arith.muli %arg1, %mul3A_47 : i32
    %add3A_49 = arith.addi %mul3A_46, %mul3A_48 : i32
    "tpu.region"() ({
      %run_scoped3A = tpu.sem_alloc : memref<!tpu.dma_semaphore, #tpu.memory_space<semaphore_mem>>
      %dma_start3A_50 = arith.constant 0 : i32
      %dma_start3A_51 = tpu.memref_slice %arg6[%add3A_49, %dma_start3A_50] : memref<20480x128xf32, #tpu.memory_space<hbm>> -> memref<640x128xf32, #tpu.memory_space<hbm>>
      %dma_start3A_52 = arith.constant 0 : i32
      %dma_start3A_53 = tpu.memref_slice %arg12[%mul3A_44, %dma_start3A_52] : memref<10240x128xf32, #tpu.memory_space<vmem_shared>> -> memref<640x128xf32, #tpu.memory_space<vmem_shared>>
      tpu.enqueue_dma source(%dma_start3A_53 : memref<640x128xf32, #tpu.memory_space<vmem_shared>>) target(%dma_start3A_51 : memref<640x128xf32, #tpu.memory_space<hbm>>) target_semaphore(%run_scoped3A : memref<!tpu.dma_semaphore, #tpu.memory_space<semaphore_mem>>)
      %dma_wait3A_54 = arith.constant 0 : i32
      %dma_wait3A_55 = tpu.memref_slice %arg6[%add3A_49, %dma_wait3A_54] : memref<20480x128xf32, #tpu.memory_space<hbm>> -> memref<640x128xf32, #tpu.memory_space<hbm>>
      %dma_wait3A_56 = arith.constant 0 : i32
      %dma_wait3A_57 = tpu.memref_slice %arg12[%mul3A_44, %dma_wait3A_56] : memref<10240x128xf32, #tpu.memory_space<vmem_shared>> -> memref<640x128xf32, #tpu.memory_space<vmem_shared>>
      tpu.wait_dma2 semaphore(%run_scoped3A : memref<!tpu.dma_semaphore, #tpu.memory_space<semaphore_mem>>) src(%dma_wait3A_57 : memref<640x128xf32, #tpu.memory_space<vmem_shared>>) dst(%dma_wait3A_55 : memref<640x128xf32, #tpu.memory_space<hbm>>)
      tpu.yield
    }) : () -> ()
    "tpu.region"() ({
      %run_scoped3A = tpu.sem_alloc : memref<!tpu.dma_semaphore, #tpu.memory_space<semaphore_mem>>
      %dma_start3A_50 = arith.constant 0 : i32
      %dma_start3A_51 = tpu.memref_slice %arg7[%add3A, %dma_start3A_50] : memref<32x10240xf32, #tpu.memory_space<hbm>> -> memref<1x10240xf32, #tpu.memory_space<hbm>>
      %dma_start3A_52 = tpu.memref_squeeze %dma_start3A_51 : memref<1x10240xf32, #tpu.memory_space<hbm>> -> memref<10240xf32, #tpu.memory_space<hbm>>
      %dma_start3A_53 = arith.constant 0 : i32
      %dma_start3A_54 = tpu.memref_slice %arg7[%add3A, %dma_start3A_53] : memref<32x10240xf32, #tpu.memory_space<hbm>> -> memref<1x10240xf32, #tpu.memory_space<hbm>>
      %dma_start3A_55 = tpu.memref_squeeze %dma_start3A_54 : memref<1x10240xf32, #tpu.memory_space<hbm>> -> memref<10240xf32, #tpu.memory_space<hbm>>
      tpu.enqueue_dma source(%arg16 : memref<10240xf32, #tpu.memory_space<vmem>>) target(%dma_start3A_55 : memref<10240xf32, #tpu.memory_space<hbm>>) target_semaphore(%run_scoped3A : memref<!tpu.dma_semaphore, #tpu.memory_space<semaphore_mem>>)
      %dma_wait3A_56 = arith.constant 0 : i32
      %dma_wait3A_57 = tpu.memref_slice %arg7[%add3A, %dma_wait3A_56] : memref<32x10240xf32, #tpu.memory_space<hbm>> -> memref<1x10240xf32, #tpu.memory_space<hbm>>
      %dma_wait3A_58 = tpu.memref_squeeze %dma_wait3A_57 : memref<1x10240xf32, #tpu.memory_space<hbm>> -> memref<10240xf32, #tpu.memory_space<hbm>>
      %dma_wait3A_59 = arith.constant 0 : i32
      %dma_wait3A_60 = tpu.memref_slice %arg7[%add3A, %dma_wait3A_59] : memref<32x10240xf32, #tpu.memory_space<hbm>> -> memref<1x10240xf32, #tpu.memory_space<hbm>>
      %dma_wait3A_61 = tpu.memref_squeeze %dma_wait3A_60 : memref<1x10240xf32, #tpu.memory_space<hbm>> -> memref<10240xf32, #tpu.memory_space<hbm>>
      tpu.wait_dma2 semaphore(%run_scoped3A : memref<!tpu.dma_semaphore, #tpu.memory_space<semaphore_mem>>) src(%arg16 : memref<10240xf32, #tpu.memory_space<vmem>>) dst(%dma_wait3A_61 : memref<10240xf32, #tpu.memory_space<hbm>>)
      tpu.yield
    }) : () -> ()
    return
  }
}

#map = affine_map<(d0, d1) -> (0, 0)>
#map1 = affine_map<(d0, d1) -> (0)>
module attributes {stable_mosaic.version = 14 : i64} {
  func.func @body(%arg0: i32, %arg1: i32, %arg2: memref<10240x128xf32, #tpu.memory_space<hbm>>, %arg3: memref<327808xi32, #tpu.memory_space<hbm>>, %arg4: memref<327808xi32, #tpu.memory_space<hbm>>, %arg5: memref<10240x128xf32, #tpu.memory_space<hbm>>, %arg6: memref<20480x128xf32, #tpu.memory_space<hbm>>, %arg7: memref<128xi32, #tpu.memory_space<vmem>>, %arg8: memref<128xi32, #tpu.memory_space<vmem>>, %arg9: memref<128xi32, #tpu.memory_space<vmem>>, %arg10: memref<128x128xf32, #tpu.memory_space<vmem>>, %arg11: memref<10240x128xf32, #tpu.memory_space<vmem_shared>>, %arg12: memref<!tpu.dma_semaphore, #tpu.memory_space<semaphore_mem>>, %arg13: memref<!tpu.dma_semaphore, #tpu.memory_space<semaphore_mem>>, %arg14: memref<!tpu.dma_semaphore, #tpu.memory_space<semaphore_mem>>) attributes {dimension_semantics = [#tpu.dimension_semantics<core_parallel>, #tpu.dimension_semantics<subcore_parallel>], iteration_bounds = array<i64: 2, 16>, scalar_prefetch = 0 : i64, scratch_operands = 8 : i64, tpu.core_type = #tpu.core_type<sc_vector_subcore>, window_params = [{transform_indices = #map}, {transform_indices = #map1}, {transform_indices = #map1}, {transform_indices = #map}, {transform_indices = #map}]} {
    %mul3A = arith.constant 2 : i32
    %mul3A_0 = arith.muli %arg1, %mul3A : i32
    %add3A = arith.addi %mul3A_0, %arg0 : i32
    %mul3A_1 = arith.constant 80 : i32
    %mul3A_2 = arith.muli %add3A, %mul3A_1 : i32
    %dma_start3A = arith.constant 10112 : i32
    %dma_start3A_3 = arith.constant 0 : i32
    %dma_start3A_4 = tpu.memref_slice %arg11[%dma_start3A, %dma_start3A_3] : memref<10240x128xf32, #tpu.memory_space<vmem_shared>> -> memref<128x128xf32, #tpu.memory_space<vmem_shared>>
    %dma_start3A_5 = arith.constant 10112 : i32
    %dma_start3A_6 = arith.constant 0 : i32
    %dma_start3A_7 = tpu.memref_slice %arg11[%dma_start3A_5, %dma_start3A_6] : memref<10240x128xf32, #tpu.memory_space<vmem_shared>> -> memref<128x128xf32, #tpu.memory_space<vmem_shared>>
    tpu.enqueue_dma source(%arg10 : memref<128x128xf32, #tpu.memory_space<vmem>>) target(%dma_start3A_7 : memref<128x128xf32, #tpu.memory_space<vmem_shared>>) target_semaphore(%arg14 : memref<!tpu.dma_semaphore, #tpu.memory_space<semaphore_mem>>)
    %add3A_8 = arith.constant 0 : i32
    %add3A_9 = arith.addi %mul3A_2, %add3A_8 : i32
    %mul3A_10 = arith.constant 128 : i32
    %mul3A_11 = arith.muli %add3A_9, %mul3A_10 : i32
    %dma_start3A_12 = tpu.memref_slice %arg3[%mul3A_11] : memref<327808xi32, #tpu.memory_space<hbm>> -> memref<128xi32, #tpu.memory_space<hbm>>
    %dma_start3A_13 = tpu.memref_slice %arg3[%mul3A_11] : memref<327808xi32, #tpu.memory_space<hbm>> -> memref<128xi32, #tpu.memory_space<hbm>>
    tpu.enqueue_dma source(%dma_start3A_13 : memref<128xi32, #tpu.memory_space<hbm>>) target(%arg7 : memref<128xi32, #tpu.memory_space<vmem>>) target_semaphore(%arg13 : memref<!tpu.dma_semaphore, #tpu.memory_space<semaphore_mem>>)
    %dma_start3A_14 = tpu.memref_slice %arg4[%mul3A_11] : memref<327808xi32, #tpu.memory_space<hbm>> -> memref<128xi32, #tpu.memory_space<hbm>>
    %dma_start3A_15 = tpu.memref_slice %arg4[%mul3A_11] : memref<327808xi32, #tpu.memory_space<hbm>> -> memref<128xi32, #tpu.memory_space<hbm>>
    tpu.enqueue_dma source(%dma_start3A_15 : memref<128xi32, #tpu.memory_space<hbm>>) target(%arg8 : memref<128xi32, #tpu.memory_space<vmem>>) target_semaphore(%arg13 : memref<!tpu.dma_semaphore, #tpu.memory_space<semaphore_mem>>)
    %mul3A_16 = arith.constant 640 : i32
    %mul3A_17 = arith.muli %arg1, %mul3A_16 : i32
    %mul3A_18 = arith.constant 640 : i32
    %mul3A_19 = arith.muli %arg1, %mul3A_18 : i32
    "tpu.region"() ({
      %run_scoped3A = tpu.sem_alloc : memref<!tpu.dma_semaphore, #tpu.memory_space<semaphore_mem>>
      %dma_start3A_45 = arith.constant 0 : i32
      %dma_start3A_46 = tpu.memref_slice %arg11[%mul3A_19, %dma_start3A_45] : memref<10240x128xf32, #tpu.memory_space<vmem_shared>> -> memref<640x128xf32, #tpu.memory_space<vmem_shared>>
      %dma_start3A_47 = arith.constant 0 : i32
      %dma_start3A_48 = tpu.memref_slice %arg5[%mul3A_17, %dma_start3A_47] : memref<10240x128xf32, #tpu.memory_space<hbm>> -> memref<640x128xf32, #tpu.memory_space<hbm>>
      tpu.enqueue_dma source(%dma_start3A_48 : memref<640x128xf32, #tpu.memory_space<hbm>>) target(%dma_start3A_46 : memref<640x128xf32, #tpu.memory_space<vmem_shared>>) target_semaphore(%run_scoped3A : memref<!tpu.dma_semaphore, #tpu.memory_space<semaphore_mem>>)
      %dma_wait3A_49 = arith.constant 0 : i32
      %dma_wait3A_50 = tpu.memref_slice %arg11[%mul3A_19, %dma_wait3A_49] : memref<10240x128xf32, #tpu.memory_space<vmem_shared>> -> memref<640x128xf32, #tpu.memory_space<vmem_shared>>
      %dma_wait3A_51 = arith.constant 0 : i32
      %dma_wait3A_52 = tpu.memref_slice %arg5[%mul3A_17, %dma_wait3A_51] : memref<10240x128xf32, #tpu.memory_space<hbm>> -> memref<640x128xf32, #tpu.memory_space<hbm>>
      tpu.wait_dma2 semaphore(%run_scoped3A : memref<!tpu.dma_semaphore, #tpu.memory_space<semaphore_mem>>) src(%dma_wait3A_52 : memref<640x128xf32, #tpu.memory_space<hbm>>) dst(%dma_wait3A_50 : memref<640x128xf32, #tpu.memory_space<vmem_shared>>)
      tpu.yield
    }) : () -> ()
    %barrier3A = arith.constant 0 : index
    tpu.barrier barrier_id(%barrier3A)
    %scan3A = arith.constant 0 : i32
    %scan3A_20 = arith.constant 40 : i32
    %scan3A_21 = arith.addi %scan3A, %scan3A_20 : i32
    %scan3A_22 = arith.constant 1 : i32
    scf.for %scan3A_45 = %scan3A to %scan3A_21 step %scan3A_22  : i32 {
      %mul3A_46 = arith.constant 2 : i32
      %mul3A_47 = arith.muli %scan3A_45, %mul3A_46 : i32
      %add3A_48 = arith.constant 0 : i32
      %add3A_49 = arith.addi %add3A_48, %mul3A_47 : i32
      %dma_wait3A_50 = arith.constant 0 : i32
      %dma_wait3A_51 = tpu.memref_slice %arg3[%dma_wait3A_50] : memref<327808xi32, #tpu.memory_space<hbm>> -> memref<128xi32, #tpu.memory_space<hbm>>
      %dma_wait3A_52 = arith.constant 0 : i32
      %dma_wait3A_53 = tpu.memref_slice %arg3[%dma_wait3A_52] : memref<327808xi32, #tpu.memory_space<hbm>> -> memref<128xi32, #tpu.memory_space<hbm>>
      tpu.wait_dma2 semaphore(%arg13 : memref<!tpu.dma_semaphore, #tpu.memory_space<semaphore_mem>>) src(%dma_wait3A_53 : memref<128xi32, #tpu.memory_space<hbm>>) dst(%arg7 : memref<128xi32, #tpu.memory_space<vmem>>)
      %dma_wait3A_54 = arith.constant 0 : i32
      %dma_wait3A_55 = tpu.memref_slice %arg4[%dma_wait3A_54] : memref<327808xi32, #tpu.memory_space<hbm>> -> memref<128xi32, #tpu.memory_space<hbm>>
      %dma_wait3A_56 = arith.constant 0 : i32
      %dma_wait3A_57 = tpu.memref_slice %arg4[%dma_wait3A_56] : memref<327808xi32, #tpu.memory_space<hbm>> -> memref<128xi32, #tpu.memory_space<hbm>>
      tpu.wait_dma2 semaphore(%arg13 : memref<!tpu.dma_semaphore, #tpu.memory_space<semaphore_mem>>) src(%dma_wait3A_57 : memref<128xi32, #tpu.memory_space<hbm>>) dst(%arg8 : memref<128xi32, #tpu.memory_space<vmem>>)
      %dma_wait3A_58 = arith.constant 10112 : i32
      %dma_wait3A_59 = arith.constant 0 : i32
      %dma_wait3A_60 = tpu.memref_slice %arg11[%dma_wait3A_58, %dma_wait3A_59] : memref<10240x128xf32, #tpu.memory_space<vmem_shared>> -> memref<128x128xf32, #tpu.memory_space<vmem_shared>>
      %dma_wait3A_61 = arith.constant 10112 : i32
      %dma_wait3A_62 = arith.constant 0 : i32
      %dma_wait3A_63 = tpu.memref_slice %arg11[%dma_wait3A_61, %dma_wait3A_62] : memref<10240x128xf32, #tpu.memory_space<vmem_shared>> -> memref<128x128xf32, #tpu.memory_space<vmem_shared>>
      tpu.wait_dma2 semaphore(%arg14 : memref<!tpu.dma_semaphore, #tpu.memory_space<semaphore_mem>>) src(%arg10 : memref<128x128xf32, #tpu.memory_space<vmem>>) dst(%dma_wait3A_63 : memref<128x128xf32, #tpu.memory_space<vmem_shared>>)
      %dma_start3A_64 = arith.constant 0 : i32
      %dma_start3A_65 = arith.constant 0 : i32
      %dma_start3A_66 = tpu.memref_slice %arg2[%dma_start3A_64, %dma_start3A_65] : memref<10240x128xf32, #tpu.memory_space<hbm>> -> memref<10240x128xf32, #tpu.memory_space<hbm>>
      tpu.enqueue_indirect_dma source(%dma_start3A_66 : memref<10240x128xf32, #tpu.memory_space<hbm>>) target(%arg10 : memref<128x128xf32, #tpu.memory_space<vmem>>) offsets(%arg7 : memref<128xi32, #tpu.memory_space<vmem>>) semaphore(%arg12 : memref<!tpu.dma_semaphore, #tpu.memory_space<semaphore_mem>>)
      %dma_wait3A_67 = arith.constant 0 : i32
      %dma_wait3A_68 = arith.constant 0 : i32
      %dma_wait3A_69 = tpu.memref_slice %arg2[%dma_wait3A_67, %dma_wait3A_68] : memref<10240x128xf32, #tpu.memory_space<hbm>> -> memref<10240x128xf32, #tpu.memory_space<hbm>>
      tpu.wait_indirect_dma semaphore(%arg12 : memref<!tpu.dma_semaphore, #tpu.memory_space<semaphore_mem>>) src(%dma_wait3A_69 : memref<10240x128xf32, #tpu.memory_space<hbm>>) dst(%arg10 : memref<128x128xf32, #tpu.memory_space<vmem>>)
      %dma_start3A_70 = arith.constant 0 : i32
      %dma_start3A_71 = arith.constant 0 : i32
      %dma_start3A_72 = tpu.memref_slice %arg11[%dma_start3A_70, %dma_start3A_71] : memref<10240x128xf32, #tpu.memory_space<vmem_shared>> -> memref<10240x128xf32, #tpu.memory_space<vmem_shared>>
      tpu.enqueue_indirect_dma source(%arg10 : memref<128x128xf32, #tpu.memory_space<vmem>>) target(%dma_start3A_72 : memref<10240x128xf32, #tpu.memory_space<vmem_shared>>) offsets(%arg8 : memref<128xi32, #tpu.memory_space<vmem>>) semaphore(%arg14 : memref<!tpu.dma_semaphore, #tpu.memory_space<semaphore_mem>>) {add = true}
      %add3A_73 = arith.constant 1 : i32
      %add3A_74 = arith.addi %add3A_49, %add3A_73 : i32
      %add3A_75 = arith.addi %mul3A_2, %add3A_74 : i32
      %mul3A_76 = arith.constant 128 : i32
      %mul3A_77 = arith.muli %add3A_75, %mul3A_76 : i32
      %dma_start3A_78 = tpu.memref_slice %arg3[%mul3A_77] : memref<327808xi32, #tpu.memory_space<hbm>> -> memref<128xi32, #tpu.memory_space<hbm>>
      %dma_start3A_79 = tpu.memref_slice %arg3[%mul3A_77] : memref<327808xi32, #tpu.memory_space<hbm>> -> memref<128xi32, #tpu.memory_space<hbm>>
      tpu.enqueue_dma source(%dma_start3A_79 : memref<128xi32, #tpu.memory_space<hbm>>) target(%arg7 : memref<128xi32, #tpu.memory_space<vmem>>) target_semaphore(%arg13 : memref<!tpu.dma_semaphore, #tpu.memory_space<semaphore_mem>>)
      %dma_start3A_80 = tpu.memref_slice %arg4[%mul3A_77] : memref<327808xi32, #tpu.memory_space<hbm>> -> memref<128xi32, #tpu.memory_space<hbm>>
      %dma_start3A_81 = tpu.memref_slice %arg4[%mul3A_77] : memref<327808xi32, #tpu.memory_space<hbm>> -> memref<128xi32, #tpu.memory_space<hbm>>
      tpu.enqueue_dma source(%dma_start3A_81 : memref<128xi32, #tpu.memory_space<hbm>>) target(%arg9 : memref<128xi32, #tpu.memory_space<vmem>>) target_semaphore(%arg13 : memref<!tpu.dma_semaphore, #tpu.memory_space<semaphore_mem>>)
      %add3A_82 = arith.constant 1 : i32
      %add3A_83 = arith.addi %add3A_49, %add3A_82 : i32
      %dma_wait3A_84 = arith.constant 0 : i32
      %dma_wait3A_85 = tpu.memref_slice %arg3[%dma_wait3A_84] : memref<327808xi32, #tpu.memory_space<hbm>> -> memref<128xi32, #tpu.memory_space<hbm>>
      %dma_wait3A_86 = arith.constant 0 : i32
      %dma_wait3A_87 = tpu.memref_slice %arg3[%dma_wait3A_86] : memref<327808xi32, #tpu.memory_space<hbm>> -> memref<128xi32, #tpu.memory_space<hbm>>
      tpu.wait_dma2 semaphore(%arg13 : memref<!tpu.dma_semaphore, #tpu.memory_space<semaphore_mem>>) src(%dma_wait3A_87 : memref<128xi32, #tpu.memory_space<hbm>>) dst(%arg7 : memref<128xi32, #tpu.memory_space<vmem>>)
      %dma_wait3A_88 = arith.constant 0 : i32
      %dma_wait3A_89 = tpu.memref_slice %arg4[%dma_wait3A_88] : memref<327808xi32, #tpu.memory_space<hbm>> -> memref<128xi32, #tpu.memory_space<hbm>>
      %dma_wait3A_90 = arith.constant 0 : i32
      %dma_wait3A_91 = tpu.memref_slice %arg4[%dma_wait3A_90] : memref<327808xi32, #tpu.memory_space<hbm>> -> memref<128xi32, #tpu.memory_space<hbm>>
      tpu.wait_dma2 semaphore(%arg13 : memref<!tpu.dma_semaphore, #tpu.memory_space<semaphore_mem>>) src(%dma_wait3A_91 : memref<128xi32, #tpu.memory_space<hbm>>) dst(%arg9 : memref<128xi32, #tpu.memory_space<vmem>>)
      %dma_wait3A_92 = arith.constant 10112 : i32
      %dma_wait3A_93 = arith.constant 0 : i32
      %dma_wait3A_94 = tpu.memref_slice %arg11[%dma_wait3A_92, %dma_wait3A_93] : memref<10240x128xf32, #tpu.memory_space<vmem_shared>> -> memref<128x128xf32, #tpu.memory_space<vmem_shared>>
      %dma_wait3A_95 = arith.constant 10112 : i32
      %dma_wait3A_96 = arith.constant 0 : i32
      %dma_wait3A_97 = tpu.memref_slice %arg11[%dma_wait3A_95, %dma_wait3A_96] : memref<10240x128xf32, #tpu.memory_space<vmem_shared>> -> memref<128x128xf32, #tpu.memory_space<vmem_shared>>
      tpu.wait_dma2 semaphore(%arg14 : memref<!tpu.dma_semaphore, #tpu.memory_space<semaphore_mem>>) src(%arg10 : memref<128x128xf32, #tpu.memory_space<vmem>>) dst(%dma_wait3A_97 : memref<128x128xf32, #tpu.memory_space<vmem_shared>>)
      %dma_start3A_98 = arith.constant 0 : i32
      %dma_start3A_99 = arith.constant 0 : i32
      %dma_start3A_100 = tpu.memref_slice %arg2[%dma_start3A_98, %dma_start3A_99] : memref<10240x128xf32, #tpu.memory_space<hbm>> -> memref<10240x128xf32, #tpu.memory_space<hbm>>
      tpu.enqueue_indirect_dma source(%dma_start3A_100 : memref<10240x128xf32, #tpu.memory_space<hbm>>) target(%arg10 : memref<128x128xf32, #tpu.memory_space<vmem>>) offsets(%arg7 : memref<128xi32, #tpu.memory_space<vmem>>) semaphore(%arg12 : memref<!tpu.dma_semaphore, #tpu.memory_space<semaphore_mem>>)
      %dma_wait3A_101 = arith.constant 0 : i32
      %dma_wait3A_102 = arith.constant 0 : i32
      %dma_wait3A_103 = tpu.memref_slice %arg2[%dma_wait3A_101, %dma_wait3A_102] : memref<10240x128xf32, #tpu.memory_space<hbm>> -> memref<10240x128xf32, #tpu.memory_space<hbm>>
      tpu.wait_indirect_dma semaphore(%arg12 : memref<!tpu.dma_semaphore, #tpu.memory_space<semaphore_mem>>) src(%dma_wait3A_103 : memref<10240x128xf32, #tpu.memory_space<hbm>>) dst(%arg10 : memref<128x128xf32, #tpu.memory_space<vmem>>)
      %dma_start3A_104 = arith.constant 0 : i32
      %dma_start3A_105 = arith.constant 0 : i32
      %dma_start3A_106 = tpu.memref_slice %arg11[%dma_start3A_104, %dma_start3A_105] : memref<10240x128xf32, #tpu.memory_space<vmem_shared>> -> memref<10240x128xf32, #tpu.memory_space<vmem_shared>>
      tpu.enqueue_indirect_dma source(%arg10 : memref<128x128xf32, #tpu.memory_space<vmem>>) target(%dma_start3A_106 : memref<10240x128xf32, #tpu.memory_space<vmem_shared>>) offsets(%arg9 : memref<128xi32, #tpu.memory_space<vmem>>) semaphore(%arg14 : memref<!tpu.dma_semaphore, #tpu.memory_space<semaphore_mem>>) {add = true}
      %add3A_107 = arith.constant 1 : i32
      %add3A_108 = arith.addi %add3A_83, %add3A_107 : i32
      %add3A_109 = arith.addi %mul3A_2, %add3A_108 : i32
      %mul3A_110 = arith.constant 128 : i32
      %mul3A_111 = arith.muli %add3A_109, %mul3A_110 : i32
      %dma_start3A_112 = tpu.memref_slice %arg3[%mul3A_111] : memref<327808xi32, #tpu.memory_space<hbm>> -> memref<128xi32, #tpu.memory_space<hbm>>
      %dma_start3A_113 = tpu.memref_slice %arg3[%mul3A_111] : memref<327808xi32, #tpu.memory_space<hbm>> -> memref<128xi32, #tpu.memory_space<hbm>>
      tpu.enqueue_dma source(%dma_start3A_113 : memref<128xi32, #tpu.memory_space<hbm>>) target(%arg7 : memref<128xi32, #tpu.memory_space<vmem>>) target_semaphore(%arg13 : memref<!tpu.dma_semaphore, #tpu.memory_space<semaphore_mem>>)
      %dma_start3A_114 = tpu.memref_slice %arg4[%mul3A_111] : memref<327808xi32, #tpu.memory_space<hbm>> -> memref<128xi32, #tpu.memory_space<hbm>>
      %dma_start3A_115 = tpu.memref_slice %arg4[%mul3A_111] : memref<327808xi32, #tpu.memory_space<hbm>> -> memref<128xi32, #tpu.memory_space<hbm>>
      tpu.enqueue_dma source(%dma_start3A_115 : memref<128xi32, #tpu.memory_space<hbm>>) target(%arg8 : memref<128xi32, #tpu.memory_space<vmem>>) target_semaphore(%arg13 : memref<!tpu.dma_semaphore, #tpu.memory_space<semaphore_mem>>)
    }
    %scan3A_23 = arith.constant 40 : i32
    %dma_wait3A = arith.constant 10112 : i32
    %dma_wait3A_24 = arith.constant 0 : i32
    %dma_wait3A_25 = tpu.memref_slice %arg11[%dma_wait3A, %dma_wait3A_24] : memref<10240x128xf32, #tpu.memory_space<vmem_shared>> -> memref<128x128xf32, #tpu.memory_space<vmem_shared>>
    %dma_wait3A_26 = arith.constant 10112 : i32
    %dma_wait3A_27 = arith.constant 0 : i32
    %dma_wait3A_28 = tpu.memref_slice %arg11[%dma_wait3A_26, %dma_wait3A_27] : memref<10240x128xf32, #tpu.memory_space<vmem_shared>> -> memref<128x128xf32, #tpu.memory_space<vmem_shared>>
    tpu.wait_dma2 semaphore(%arg14 : memref<!tpu.dma_semaphore, #tpu.memory_space<semaphore_mem>>) src(%arg10 : memref<128x128xf32, #tpu.memory_space<vmem>>) dst(%dma_wait3A_28 : memref<128x128xf32, #tpu.memory_space<vmem_shared>>)
    %dma_wait3A_29 = arith.constant 0 : i32
    %dma_wait3A_30 = tpu.memref_slice %arg3[%dma_wait3A_29] : memref<327808xi32, #tpu.memory_space<hbm>> -> memref<128xi32, #tpu.memory_space<hbm>>
    %dma_wait3A_31 = arith.constant 0 : i32
    %dma_wait3A_32 = tpu.memref_slice %arg3[%dma_wait3A_31] : memref<327808xi32, #tpu.memory_space<hbm>> -> memref<128xi32, #tpu.memory_space<hbm>>
    tpu.wait_dma2 semaphore(%arg13 : memref<!tpu.dma_semaphore, #tpu.memory_space<semaphore_mem>>) src(%dma_wait3A_32 : memref<128xi32, #tpu.memory_space<hbm>>) dst(%arg7 : memref<128xi32, #tpu.memory_space<vmem>>)
    %dma_wait3A_33 = arith.constant 0 : i32
    %dma_wait3A_34 = tpu.memref_slice %arg4[%dma_wait3A_33] : memref<327808xi32, #tpu.memory_space<hbm>> -> memref<128xi32, #tpu.memory_space<hbm>>
    %dma_wait3A_35 = arith.constant 0 : i32
    %dma_wait3A_36 = tpu.memref_slice %arg4[%dma_wait3A_35] : memref<327808xi32, #tpu.memory_space<hbm>> -> memref<128xi32, #tpu.memory_space<hbm>>
    tpu.wait_dma2 semaphore(%arg13 : memref<!tpu.dma_semaphore, #tpu.memory_space<semaphore_mem>>) src(%dma_wait3A_36 : memref<128xi32, #tpu.memory_space<hbm>>) dst(%arg8 : memref<128xi32, #tpu.memory_space<vmem>>)
    %barrier3A_37 = arith.constant 0 : index
    tpu.barrier barrier_id(%barrier3A_37)
    %mul3A_38 = arith.constant 640 : i32
    %mul3A_39 = arith.muli %arg1, %mul3A_38 : i32
    %mul3A_40 = arith.constant 10240 : i32
    %mul3A_41 = arith.muli %arg0, %mul3A_40 : i32
    %mul3A_42 = arith.constant 640 : i32
    %mul3A_43 = arith.muli %arg1, %mul3A_42 : i32
    %add3A_44 = arith.addi %mul3A_41, %mul3A_43 : i32
    "tpu.region"() ({
      %run_scoped3A = tpu.sem_alloc : memref<!tpu.dma_semaphore, #tpu.memory_space<semaphore_mem>>
      %dma_start3A_45 = arith.constant 0 : i32
      %dma_start3A_46 = tpu.memref_slice %arg6[%add3A_44, %dma_start3A_45] : memref<20480x128xf32, #tpu.memory_space<hbm>> -> memref<640x128xf32, #tpu.memory_space<hbm>>
      %dma_start3A_47 = arith.constant 0 : i32
      %dma_start3A_48 = tpu.memref_slice %arg11[%mul3A_39, %dma_start3A_47] : memref<10240x128xf32, #tpu.memory_space<vmem_shared>> -> memref<640x128xf32, #tpu.memory_space<vmem_shared>>
      tpu.enqueue_dma source(%dma_start3A_48 : memref<640x128xf32, #tpu.memory_space<vmem_shared>>) target(%dma_start3A_46 : memref<640x128xf32, #tpu.memory_space<hbm>>) target_semaphore(%run_scoped3A : memref<!tpu.dma_semaphore, #tpu.memory_space<semaphore_mem>>)
      %dma_wait3A_49 = arith.constant 0 : i32
      %dma_wait3A_50 = tpu.memref_slice %arg6[%add3A_44, %dma_wait3A_49] : memref<20480x128xf32, #tpu.memory_space<hbm>> -> memref<640x128xf32, #tpu.memory_space<hbm>>
      %dma_wait3A_51 = arith.constant 0 : i32
      %dma_wait3A_52 = tpu.memref_slice %arg11[%mul3A_39, %dma_wait3A_51] : memref<10240x128xf32, #tpu.memory_space<vmem_shared>> -> memref<640x128xf32, #tpu.memory_space<vmem_shared>>
      tpu.wait_dma2 semaphore(%run_scoped3A : memref<!tpu.dma_semaphore, #tpu.memory_space<semaphore_mem>>) src(%dma_wait3A_52 : memref<640x128xf32, #tpu.memory_space<vmem_shared>>) dst(%dma_wait3A_50 : memref<640x128xf32, #tpu.memory_space<hbm>>)
      tpu.yield
    }) : () -> ()
    return
  }
}

module attributes {stable_mosaic.version = 14 : i64} {
  func.func @body(%arg0: i32, %arg1: memref<1024x128xf32, #tpu.memory_space<vmem>>, %arg2: memref<1024x128xf32, #tpu.memory_space<vmem>>, %arg3: memref<32x1024xf32, #tpu.memory_space<vmem>>, %arg4: memref<1024x128xf32, #tpu.memory_space<vmem>>, %arg5: memref<128x128xf32, #tpu.memory_space<vmem>>, %arg6: memref<128x128xf32, #tpu.memory_space<vmem>>, %arg7: memref<1x128xf32, #tpu.memory_space<vmem>>, %arg8: memref<1024x128xf32, #tpu.memory_space<vmem>>) attributes {dimension_semantics = [#tpu.dimension_semantics<arbitrary>], iteration_bounds = array<i64: 10>, scalar_prefetch = 0 : i64, scratch_operands = 0 : i64, tpu.core_type = #tpu.core_type<tc>, window_params = [{transform_indices = @transform_0, window_bounds = array<i64: 1024, 128>}, {transform_indices = @transform_1, window_bounds = array<i64: 1024, 128>}, {transform_indices = @transform_2, window_bounds = array<i64: 32, 1024>}, {transform_indices = @transform_3, window_bounds = array<i64: 1024, 128>}, {pipeline_mode = #tpu.pipeline_mode<synchronous>, transform_indices = @transform_4, window_bounds = array<i64: 128, 128>}, {pipeline_mode = #tpu.pipeline_mode<synchronous>, transform_indices = @transform_5, window_bounds = array<i64: 128, 128>}, {pipeline_mode = #tpu.pipeline_mode<synchronous>, transform_indices = @transform_6, window_bounds = array<i64: 1, 128>}, {transform_indices = @transform_7, window_bounds = array<i64: 1024, 128>}]} {
    %get3A = arith.constant 0 : index
    %get3A_0 = arith.constant 0 : index
    %get3A_1 = vector.load %arg3[%get3A, %get3A_0] : memref<32x1024xf32, #tpu.memory_space<vmem>>, vector<32x1024xf32>
    %reduce_sum3A = arith.constant dense<0.000000e+00> : vector<1024xf32>
    %reduce_sum3A_2 = vector.multi_reduction <add>, %get3A_1, %reduce_sum3A [0] : vector<32x1024xf32> to vector<1024xf32>
    %broadcast_in_dim3A = vector.shape_cast %reduce_sum3A_2 : vector<1024xf32> to vector<1024x1xf32>
    %max3A = arith.constant 1.000000e+00 : f32
    %max3A_3 = vector.broadcast %max3A : f32 to vector<1024x1xf32>
    %max3A_4 = arith.maximumf %broadcast_in_dim3A, %max3A_3 : vector<1024x1xf32>
    %div3A = arith.constant 1.000000e+00 : f32
    %div3A_5 = vector.broadcast %div3A : f32 to vector<1024x1xf32>
    %div3A_6 = arith.divf %div3A_5, %max3A_4 : vector<1024x1xf32>
    %get3A_7 = arith.constant 0 : index
    %get3A_8 = arith.constant 0 : index
    %get3A_9 = vector.load %arg1[%get3A_7, %get3A_8] : memref<1024x128xf32, #tpu.memory_space<vmem>>, vector<1024x128xf32>
    %get3A_10 = arith.constant 0 : index
    %get3A_11 = arith.constant 0 : index
    %get3A_12 = vector.load %arg2[%get3A_10, %get3A_11] : memref<1024x128xf32, #tpu.memory_space<vmem>>, vector<1024x128xf32>
    %add3A = arith.addf %get3A_9, %get3A_12 : vector<1024x128xf32>
    %mul3A = vector.broadcast %div3A_6 : vector<1024x1xf32> to vector<1024x128xf32>
    %mul3A_13 = arith.mulf %add3A, %mul3A : vector<1024x128xf32>
    %get3A_14 = arith.constant 0 : index
    %get3A_15 = arith.constant 0 : index
    %get3A_16 = vector.load %arg5[%get3A_14, %get3A_15] : memref<128x128xf32, #tpu.memory_space<vmem>>, vector<128x128xf32>
    %dot_general3A = arith.constant dense<0.000000e+00> : vector<1024x128xf32>
    %dot_general3A_17 = tpu.matmul %mul3A_13, %get3A_16, %dot_general3A {dimension_numbers = #tpu.dot_dimension_numbers<[1], [0], [0], [1], [0, 0, 1, 1], [], []>, transpose_lhs_hint = false} : vector<1024x128xf32>, vector<128x128xf32>, vector<1024x128xf32> -> vector<1024x128xf32>
    %get3A_18 = arith.constant 0 : index
    %get3A_19 = arith.constant 0 : index
    %get3A_20 = vector.load %arg4[%get3A_18, %get3A_19] : memref<1024x128xf32, #tpu.memory_space<vmem>>, vector<1024x128xf32>
    %get3A_21 = arith.constant 0 : index
    %get3A_22 = arith.constant 0 : index
    %get3A_23 = vector.load %arg6[%get3A_21, %get3A_22] : memref<128x128xf32, #tpu.memory_space<vmem>>, vector<128x128xf32>
    %dot_general3A_24 = arith.constant dense<0.000000e+00> : vector<1024x128xf32>
    %dot_general3A_25 = tpu.matmul %get3A_20, %get3A_23, %dot_general3A_24 {dimension_numbers = #tpu.dot_dimension_numbers<[1], [0], [0], [1], [0, 0, 1, 1], [], []>, transpose_lhs_hint = false} : vector<1024x128xf32>, vector<128x128xf32>, vector<1024x128xf32> -> vector<1024x128xf32>
    %add3A_26 = arith.addf %dot_general3A_17, %dot_general3A_25 : vector<1024x128xf32>
    %get3A_27 = arith.constant 0 : index
    %get3A_28 = arith.constant 0 : index
    %get3A_29 = vector.load %arg7[%get3A_27, %get3A_28] : memref<1x128xf32, #tpu.memory_space<vmem>>, vector<1x128xf32>
    %add3A_30 = vector.broadcast %get3A_29 : vector<1x128xf32> to vector<1024x128xf32>
    %add3A_31 = arith.addf %add3A_26, %add3A_30 : vector<1024x128xf32>
    %max3A_32 = arith.constant 0.000000e+00 : f32
    %max3A_33 = vector.broadcast %max3A_32 : f32 to vector<1024x128xf32>
    %max3A_34 = arith.maximumf %add3A_31, %max3A_33 : vector<1024x128xf32>
    %swap3A = arith.constant 0 : index
    %swap3A_35 = arith.constant 0 : index
    %swap3A_36 = vector.load %arg8[%swap3A, %swap3A_35] : memref<1024x128xf32, #tpu.memory_space<vmem>>, vector<1024x128xf32>
    tpu.vector_store %arg8[%swap3A, %swap3A_35], %max3A_34 {strides = array<i32>} : memref<1024x128xf32, #tpu.memory_space<vmem>>, vector<1024x128xf32>,
    return
  }
  func.func @transform_0(%arg0: i32) -> (i32, i32) {
    %c0_i32 = arith.constant 0 : i32
    %c0_i32_0 = arith.constant 0 : i32
    return %arg0, %c0_i32 : i32, i32
  }
  func.func @transform_1(%arg0: i32) -> (i32, i32) {
    %add3A = arith.constant 10 : i32
    %add3A_0 = arith.addi %add3A, %arg0 : i32
    %c0_i32 = arith.constant 0 : i32
    %c0_i32_1 = arith.constant 0 : i32
    return %add3A_0, %c0_i32 : i32, i32
  }
  func.func @transform_2(%arg0: i32) -> (i32, i32) {
    %c0_i32 = arith.constant 0 : i32
    %c0_i32_0 = arith.constant 0 : i32
    return %c0_i32, %arg0 : i32, i32
  }
  func.func @transform_3(%arg0: i32) -> (i32, i32) {
    %c0_i32 = arith.constant 0 : i32
    %c0_i32_0 = arith.constant 0 : i32
    return %arg0, %c0_i32 : i32, i32
  }
  func.func @transform_4(%arg0: i32) -> (i32, i32) {
    %c0_i32 = arith.constant 0 : i32
    %c0_i32_0 = arith.constant 0 : i32
    %c0_i32_1 = arith.constant 0 : i32
    return %c0_i32, %c0_i32_0 : i32, i32
  }
  func.func @transform_5(%arg0: i32) -> (i32, i32) {
    %c0_i32 = arith.constant 0 : i32
    %c0_i32_0 = arith.constant 0 : i32
    %c0_i32_1 = arith.constant 0 : i32
    return %c0_i32, %c0_i32_0 : i32, i32
  }
  func.func @transform_6(%arg0: i32) -> (i32, i32) {
    %c0_i32 = arith.constant 0 : i32
    %c0_i32_0 = arith.constant 0 : i32
    %c0_i32_1 = arith.constant 0 : i32
    return %c0_i32, %c0_i32_0 : i32, i32
  }
  func.func @transform_7(%arg0: i32) -> (i32, i32) {
    %c0_i32 = arith.constant 0 : i32
    %c0_i32_0 = arith.constant 0 : i32
    return %arg0, %c0_i32 : i32, i32
  }
}

module attributes {stable_mosaic.version = 14 : i64} {
  func.func @body(%arg0: i32, %arg1: memref<1024x128xf32, #tpu.memory_space<vmem>>, %arg2: memref<1024x128xf32, #tpu.memory_space<vmem>>, %arg3: memref<32x1024xf32, #tpu.memory_space<vmem>>, %arg4: memref<1024x128xf32, #tpu.memory_space<vmem>>, %arg5: memref<128x128xf32, #tpu.memory_space<vmem>>, %arg6: memref<128x128xf32, #tpu.memory_space<vmem>>, %arg7: memref<1x128xf32, #tpu.memory_space<vmem>>, %arg8: memref<1024x128xf32, #tpu.memory_space<vmem>>) attributes {dimension_semantics = [#tpu.dimension_semantics<arbitrary>], iteration_bounds = array<i64: 10>, scalar_prefetch = 0 : i64, scratch_operands = 0 : i64, tpu.core_type = #tpu.core_type<tc>, window_params = [{transform_indices = @transform_0, window_bounds = array<i64: 1024, 128>}, {transform_indices = @transform_1, window_bounds = array<i64: 1024, 128>}, {transform_indices = @transform_2, window_bounds = array<i64: 32, 1024>}, {transform_indices = @transform_3, window_bounds = array<i64: 1024, 128>}, {pipeline_mode = #tpu.pipeline_mode<synchronous>, transform_indices = @transform_4, window_bounds = array<i64: 128, 128>}, {pipeline_mode = #tpu.pipeline_mode<synchronous>, transform_indices = @transform_5, window_bounds = array<i64: 128, 128>}, {pipeline_mode = #tpu.pipeline_mode<synchronous>, transform_indices = @transform_6, window_bounds = array<i64: 1, 128>}, {transform_indices = @transform_7, window_bounds = array<i64: 1024, 128>}]} {
    %get3A = arith.constant 0 : index
    %get3A_0 = arith.constant 0 : index
    %get3A_1 = vector.load %arg3[%get3A, %get3A_0] : memref<32x1024xf32, #tpu.memory_space<vmem>>, vector<32x1024xf32>
    %reduce_sum3A = arith.constant dense<0.000000e+00> : vector<1024xf32>
    %reduce_sum3A_2 = vector.multi_reduction <add>, %get3A_1, %reduce_sum3A [0] : vector<32x1024xf32> to vector<1024xf32>
    %broadcast_in_dim3A = vector.shape_cast %reduce_sum3A_2 : vector<1024xf32> to vector<1024x1xf32>
    %max3A = arith.constant 1.000000e+00 : f32
    %max3A_3 = vector.broadcast %max3A : f32 to vector<1024x1xf32>
    %max3A_4 = arith.maximumf %broadcast_in_dim3A, %max3A_3 : vector<1024x1xf32>
    %div3A = arith.constant 1.000000e+00 : f32
    %div3A_5 = vector.broadcast %div3A : f32 to vector<1024x1xf32>
    %div3A_6 = arith.divf %div3A_5, %max3A_4 : vector<1024x1xf32>
    %get3A_7 = arith.constant 0 : index
    %get3A_8 = arith.constant 0 : index
    %get3A_9 = vector.load %arg1[%get3A_7, %get3A_8] : memref<1024x128xf32, #tpu.memory_space<vmem>>, vector<1024x128xf32>
    %get3A_10 = arith.constant 0 : index
    %get3A_11 = arith.constant 0 : index
    %get3A_12 = vector.load %arg2[%get3A_10, %get3A_11] : memref<1024x128xf32, #tpu.memory_space<vmem>>, vector<1024x128xf32>
    %add3A = arith.addf %get3A_9, %get3A_12 : vector<1024x128xf32>
    %mul3A = vector.broadcast %div3A_6 : vector<1024x1xf32> to vector<1024x128xf32>
    %mul3A_13 = arith.mulf %add3A, %mul3A : vector<1024x128xf32>
    %get3A_14 = arith.constant 0 : index
    %get3A_15 = arith.constant 0 : index
    %get3A_16 = vector.load %arg5[%get3A_14, %get3A_15] : memref<128x128xf32, #tpu.memory_space<vmem>>, vector<128x128xf32>
    %dot_general3A = arith.constant dense<0.000000e+00> : vector<1024x128xf32>
    %dot_general3A_17 = tpu.matmul %mul3A_13, %get3A_16, %dot_general3A {dimension_numbers = #tpu.dot_dimension_numbers<[1], [0], [0], [1], [0, 0, 1, 1], [], []>, transpose_lhs_hint = false} : vector<1024x128xf32>, vector<128x128xf32>, vector<1024x128xf32> -> vector<1024x128xf32>
    %get3A_18 = arith.constant 0 : index
    %get3A_19 = arith.constant 0 : index
    %get3A_20 = vector.load %arg4[%get3A_18, %get3A_19] : memref<1024x128xf32, #tpu.memory_space<vmem>>, vector<1024x128xf32>
    %get3A_21 = arith.constant 0 : index
    %get3A_22 = arith.constant 0 : index
    %get3A_23 = vector.load %arg6[%get3A_21, %get3A_22] : memref<128x128xf32, #tpu.memory_space<vmem>>, vector<128x128xf32>
    %dot_general3A_24 = arith.constant dense<0.000000e+00> : vector<1024x128xf32>
    %dot_general3A_25 = tpu.matmul %get3A_20, %get3A_23, %dot_general3A_24 {dimension_numbers = #tpu.dot_dimension_numbers<[1], [0], [0], [1], [0, 0, 1, 1], [], []>, transpose_lhs_hint = false} : vector<1024x128xf32>, vector<128x128xf32>, vector<1024x128xf32> -> vector<1024x128xf32>
    %add3A_26 = arith.addf %dot_general3A_17, %dot_general3A_25 : vector<1024x128xf32>
    %get3A_27 = arith.constant 0 : index
    %get3A_28 = arith.constant 0 : index
    %get3A_29 = vector.load %arg7[%get3A_27, %get3A_28] : memref<1x128xf32, #tpu.memory_space<vmem>>, vector<1x128xf32>
    %add3A_30 = vector.broadcast %get3A_29 : vector<1x128xf32> to vector<1024x128xf32>
    %add3A_31 = arith.addf %add3A_26, %add3A_30 : vector<1024x128xf32>
    %swap3A = arith.constant 0 : index
    %swap3A_32 = arith.constant 0 : index
    %swap3A_33 = vector.load %arg8[%swap3A, %swap3A_32] : memref<1024x128xf32, #tpu.memory_space<vmem>>, vector<1024x128xf32>
    tpu.vector_store %arg8[%swap3A, %swap3A_32], %add3A_31 {strides = array<i32>} : memref<1024x128xf32, #tpu.memory_space<vmem>>, vector<1024x128xf32>,
    return
  }
  func.func @transform_0(%arg0: i32) -> (i32, i32) {
    %c0_i32 = arith.constant 0 : i32
    %c0_i32_0 = arith.constant 0 : i32
    return %arg0, %c0_i32 : i32, i32
  }
  func.func @transform_1(%arg0: i32) -> (i32, i32) {
    %add3A = arith.constant 10 : i32
    %add3A_0 = arith.addi %add3A, %arg0 : i32
    %c0_i32 = arith.constant 0 : i32
    %c0_i32_1 = arith.constant 0 : i32
    return %add3A_0, %c0_i32 : i32, i32
  }
  func.func @transform_2(%arg0: i32) -> (i32, i32) {
    %c0_i32 = arith.constant 0 : i32
    %c0_i32_0 = arith.constant 0 : i32
    return %c0_i32, %arg0 : i32, i32
  }
  func.func @transform_3(%arg0: i32) -> (i32, i32) {
    %c0_i32 = arith.constant 0 : i32
    %c0_i32_0 = arith.constant 0 : i32
    return %arg0, %c0_i32 : i32, i32
  }
  func.func @transform_4(%arg0: i32) -> (i32, i32) {
    %c0_i32 = arith.constant 0 : i32
    %c0_i32_0 = arith.constant 0 : i32
    %c0_i32_1 = arith.constant 0 : i32
    return %c0_i32, %c0_i32_0 : i32, i32
  }
  func.func @transform_5(%arg0: i32) -> (i32, i32) {
    %c0_i32 = arith.constant 0 : i32
    %c0_i32_0 = arith.constant 0 : i32
    %c0_i32_1 = arith.constant 0 : i32
    return %c0_i32, %c0_i32_0 : i32, i32
  }
  func.func @transform_6(%arg0: i32) -> (i32, i32) {
    %c0_i32 = arith.constant 0 : i32
    %c0_i32_0 = arith.constant 0 : i32
    %c0_i32_1 = arith.constant 0 : i32
    return %c0_i32, %c0_i32_0 : i32, i32
  }
  func.func @transform_7(%arg0: i32) -> (i32, i32) {
    %c0_i32 = arith.constant 0 : i32
    %c0_i32_0 = arith.constant 0 : i32
    return %arg0, %c0_i32 : i32, i32
  }
}

</mosaic_0001>

<sc_bundles>
// kernel: kernel.6.cloned.1.call-start
scs
__scs_entry_jumppad:
0x0: {  	(pc) =	sbr.rel $0x88, $3  }
0x1: {  	(tag) =	ssettag $0x0;
	lr =	simm.s32 $0x1  }
0x2: {  	[smem:$0x3F99] =	sst lr;
	_ =	strace $0xD0000000  }
0x3: {  	_ = 	snop  }
0x4: {  	_ = 	snop  }
0x5: {  	_ = 	snop  }
0x6: {  	_ = 	snop  }
0x7: {  	_ = 	snop  }
__scs_overlays_trampoline_lowered:
0x8: {  	[smem:$0x3FA8] =	sst s0  }
0x9: {  	[smem:$0x3FA9] =	sst s1  }
0xa: {  	[smem:$0x3FAA] =	sst s2  }
0xb: {  	[smem:$0x3FAB] =	sst s3  }
0xc: {  	[smem:$0x3FAC] =	sst s4  }
0xd: {  	[smem:$0x3FAD] =	sst s5  }
0xe: {  	[smem:$0x3FAE] =	sst s6  }
0xf: {  	[smem:$0x3FAF] =	sst s7  }
0x10: {  	[smem:$0x3FB0] =	sst s8  }
0x11: {  	[smem:$0x3FB1] =	sst s9;
	s0 =	simm.s32 @!p0 $0x0  }
0x12: {  	s1 =	sld [smem:$0x3F97];
	s0 =	simm.s32 @p0 $0x1  }
0x13: {  	[smem:$0x3FB2] =	sst s0;
	s0 =	simm.s32 @!p1 $0x0  }
0x14: {  	s2 =	sld [smem:$0x3F96];
	s0 =	simm.s32 @p1 $0x1  }
0x15: {  	[smem:$0x3FB3] =	sst s0;
	s0 =	simm.s32 @!p2 $0x0  }
0x16: {  	s3 =	sld [smem:$0x3FDB];
	s0 =	simm.s32 @p2 $0x1  }
0x17: {  	s4 =	simm.s32 $0x1BF5;
	[smem:$0x3FB5] =	sst s0  }
0x18: {  	s0 =	sld [smem:$0x3F98];
	_ =	swait.ge [sflag:s4], $0x0  }
0x19: {  	s7 =	sld [smem:$0x3F99]  }
0x1a: {  	s8 =	sadd.s32 $0xFFFFE003, lr  }
0x1b: {  	s9 =	sadd.s32 $0xFFFFFEF7, lr;
	s5 =	simm.s32 $0xFFFFFFFF;
	p2 =	slt.u32 s8, $0xFFFFF086  }
0x1c: {  	p1 =	slt.u32 s9, $0xF7A;
	s5 =	simm.s32 @!p2 $0x0  }
0x1d: {  	s5 =	simm.s32 @p1 $0x1;
	p0 =	seq.s32 s7, s2  }
0x1e: {  	s7 =	smul.u32 @!p0 $0xF7A, s2;
	p2 =	seq.s32 @!p0 s5, $0x0  }
0x1f: {  	s9 =	smul.u32 $0xF7A, s1;
	s8 =	simm.s32 @!p0 $0x1BF5;
	p2 =	por !p2, p0  }
0x20: {  	[sflag:s8] =	ssyncset.s32 @!p0 $0xFFFFF086;
	s6 =	sadd.s32 @!p0 s3, s7;
	s7 =	simm.s32 @!p0 $0x108  }
0x21: {  	s3 =	sadd.s32 s3, s9;
	s6 =	sadd.s32 @!p0 $0x88, s6;
	s7 =	simm.s32 @p2 $0x1082  }
0x22: {  	[simem:s7], [sflag:s8] =	dma.local @!p0 [hbm:s6], $0xF7A  }
0x23: {  	s9 =	sor.u32 $0xD0000000, s2;
	s6 =	simm.s32 $0x108;
	_ =	swait.ge @!p0 [sflag:s8], $0x0  }
0x24: {  	s3 =	sadd.s32 $0x88, s3;
	s6 =	simm.s32 @!p1 $0x1082;
	[sflag:s4] =	ssyncset.s32 $0xFFFFF086  }
0x25: {  	[simem:s6], [sflag:s4] =	dma.local [hbm:s3], $0xF7A  }
0x26: {  	[smem:$0x3F99] =	sst s1;
	(tag) =	ssettag s2;
	_ =	strace s9  }
0x27: {  	s1 =	sld [smem:$0x3FA9]  }
0x28: {  	s2 =	sld [smem:$0x3FAA]  }
0x29: {  	s4 =	sld [smem:$0x3FAC]  }
0x2a: {  	p0 =	seq.s32 s5, $0x0;
	s5 =	sld [smem:$0x3FAD]  }
0x2b: {  	s6 =	sld [smem:$0x3FAE]  }
0x2c: {  	s7 =	sld [smem:$0x3FAF]  }
0x2d: {  	s3 =	simm.s32 $0x108;
	s8 =	sld [smem:$0x3FB0]  }
0x2e: {  	s3 =	simm.s32 @!p0 $0x1082;
	s9 =	sld [smem:$0x3FB1]  }
0x2f: {  	lr =	sadd.s32 s0, s3;
	s0 =	sld [smem:$0x3FA8]  }
0x30: {  	s3 =	sld [smem:$0x3FAB]  }
0x31: {  	[smem:$0x3FB4] =	sst s10  }
0x32: {  	s10 =	sld [smem:$0x3FB2];
	_ =	sdelay $0x3  }
0x33: {  	p0 =	seq.s32 s10, $0x1;
	s10 =	sld [smem:$0x3FB4];
	_ =	sdelay $0x3  }
0x34: {  	[smem:$0x3FB4] =	sst s10  }
0x35: {  	s10 =	sld [smem:$0x3FB3];
	_ =	sdelay $0x3  }
0x36: {  	p1 =	seq.s32 s10, $0x1;
	s10 =	sld [smem:$0x3FB4];
	_ =	sdelay $0x3  }
0x37: {  	[smem:$0x3FB4] =	sst s10  }
0x38: {  	s10 =	sld [smem:$0x3FB5]  }
0x39: {  	_ = 	snop;
	(pc) =	sbr.ind lr, $3  }
0x3a: {  	_ = 	snop  }
0x3b: {  	_ = 	snop  }
0x3c: {  	p2 =	seq.s32 s10, $0x1;
	s10 =	sld [smem:$0x3FB4]  }
0x3d: {  	_ =	shalt  }
0x3e: {  	_ =	shalt  }
0x3f: {  	_ =	shalt  }
0x40: {  	_ =	shalt  }
0x41: {  	_ =	shalt  }
0x42: {  	_ =	shalt  }
0x43: {  	_ =	shalt  }
0x44: {  	_ =	shalt  }
0x45: {  	_ =	shalt  }
0x46: {  	_ =	shalt  }
0x47: {  	_ =	shalt  }
0x48: {  	_ =	shalt  }
0x49: {  	_ =	shalt  }
0x4a: {  	_ =	shalt  }
0x4b: {  	_ =	shalt  }
0x4c: {  	_ =	shalt  }
0x4d: {  	_ =	shalt  }
0x4e: {  	_ =	shalt  }
0x4f: {  	_ =	shalt  }
0x50: {  	_ =	shalt  }
0x51: {  	_ =	shalt  }
0x52: {  	_ =	shalt  }
0x53: {  	_ =	shalt  }
0x54: {  	_ =	shalt  }
0x55: {  	_ =	shalt  }
0x56: {  	_ =	shalt  }
0x57: {  	_ =	shalt  }
0x58: {  	_ =	shalt  }
0x59: {  	_ =	shalt  }
0x5a: {  	_ =	shalt  }
0x5b: {  	_ =	shalt  }
0x5c: {  	_ =	shalt  }
0x5d: {  	_ =	shalt  }
0x5e: {  	_ =	shalt  }
0x5f: {  	_ =	shalt  }
0x60: {  	_ =	shalt  }
0x61: {  	_ =	shalt  }
0x62: {  	_ =	shalt  }
0x63: {  	_ =	shalt  }
0x64: {  	_ =	shalt  }
0x65: {  	_ =	shalt  }
0x66: {  	_ =	shalt  }
0x67: {  	_ =	shalt  }
0x68: {  	_ =	shalt  }
0x69: {  	_ =	shalt  }
0x6a: {  	_ =	shalt  }
0x6b: {  	_ =	shalt  }
0x6c: {  	_ =	shalt  }
0x6d: {  	_ =	shalt  }
0x6e: {  	_ =	shalt  }
0x6f: {  	_ =	shalt  }
0x70: {  	_ =	shalt  }
0x71: {  	_ =	shalt  }
0x72: {  	_ =	shalt  }
0x73: {  	_ =	shalt  }
0x74: {  	_ =	shalt  }
0x75: {  	_ =	shalt  }
0x76: {  	_ =	shalt  }
0x77: {  	_ =	shalt  }
0x78: {  	_ =	shalt  }
0x79: {  	_ =	shalt  }
0x7a: {  	_ =	shalt  }
0x7b: {  	_ =	shalt  }
0x7c: {  	_ =	shalt  }
0x7d: {  	_ =	shalt  }
0x7e: {  	_ =	shalt  }
0x7f: {  	_ =	shalt  }
0x80: {  	_ =	shalt  }
0x81: {  	_ =	shalt  }
0x82: {  	_ =	shalt  }
0x83: {  	_ =	shalt  }
0x84: {  	_ =	shalt  }
0x85: {  	_ =	shalt  }
0x86: {  	_ =	shalt  }
0x87: {  	_ =	shalt  }
.Lfunc_end0:
.L_simem_size_0:
called_computation_lowered:
.L_overlay_start_0:
0x88: {  	s2 =	sld [smem:$0x3FD9]  }
0x89: {  	s3 =	sld [smem:$0x3FFE];
	_ =	sdelay $0x1  }
0x8a: {  	s1 =	srdreg.scid  }
0x8b: {  	s0 =	sand.u32 $0x1, s1  }
0x8c: {  	s17 =	sshll.u32 s0, $0xA;
	s2 =	sadd.s32 s3, s2  }
0x8d: {  	s2 =	sadd.s32 s2, s17  }
0x8e: {  	[smem:$0x3FC0] =	sst s2  }
0x8f: {  	_ = 	snop  }
0x90: {  	s2 =	sld [smem:$0x3FD0];
	(tm) =	ssettm $0x1  }
0x91: {  	s18 =	sld [smem:$0x3FFB];
	_ =	sdelay $0x3  }
0x92: {  	_ =	strace s18  }
0x93: {  	s3 =	sld [smem:$0x3FFC];
	_ =	sdelay $0x3  }
0x94: {  	_ =	strace s3  }
0x95: {  	s3 =	sld [smem:$0x3FFD];
	_ =	sdelay $0x3  }
0x96: {  	_ =	strace s3  }
0x97: {  	_ =	strace $0x8FFFFFFF  }
0x98: {  	s19 =	sld [smem:$0x3FDB];
	_ =	sdelay $0x1  }
0x99: {  	s4 =	simm.s32 $_scs_section_size  }
0x9a: {  	s5 =	simm.s32 $_size__tile_overlayer_lowered;
	s6 =	simm.s32 $_tile_overlayer_lowered  }
0x9b: {  	s22 =	simm.s32 $0x1BFF;
	s21 =	sshll.u32 s6, $0x1;
	s3 =	sadd.s32 s4, s19  }
0x9c: {  	s7 =	simm.s32 $0x0;
	s20 =	sshll.u32 s5, $0x1;
	s5 =	sadd.s32 s21, s3  }
0x9d: {  	[timem:s7], [sflag:s22] =	dma.local [hbm:s5], s20  }
0x9e: {  	_ =	swait.ge [sflag:s22], s20  }
0x9f: {  	s4 =	ssub.s32 $0x0, s20;
	[sflag:s22] =	ssyncset.done $0x0  }
0xa0: {  	[sflag:s22] =	ssyncadd.s32 s4;
	_ =	sdelay $0x1  }
0xa1: {  	s23 =	simm.s32 $0x1B8B  }
0xa2: {  	_ =	swait.ge [sflag:s23], $0x1  }
0xa3: {  	[sflag:s23] =	ssyncset.done $0x0  }
0xa4: {  	s25 =	simm.s32 $0x1B8E;
	s24 =	sld [smem:$0x3FFE];
	[sflag:s23] =	ssyncadd.s32 $0xFFFFFFFF  }
0xa5: {  	s26 =	simm.s32 $execute0_lowered;
	[smem:$0x3FD2] =	sst s25  }
0xa6: {  	s5 =	sshll.u32 s26, $0x1;
	_ =	strace $0x80000046;
	[dreg:$0x1] =	wrdreg $0xFFFFFFFF  }
0xa7: {  	s28 =	simm.s32 $_size_execute0_lowered;
	s3 =	sadd.s32 s3, s5;
	[dreg:$0x0] =	wrdreg $0x0  }
0xa8: {  	s5 =	sshll.u32 s28, $0x1;
	[dreg:$0x2] =	wrdreg s3  }
0xa9: {  	[dreg:$0x3] =	wrdreg s5  }
0xaa: {  	[dreg:$0x4] =	wrdreg $0xC0  }
0xab: {  	_ =	task [dreg:s7], $0x5FFFF  }
0xac: {  	[dreg:$0x1] =	wrdreg $0xFFFFFFFF  }
0xad: {  	[dreg:$0x0] =	wrdreg $0x60  }
0xae: {  	[dreg:$0x2] =	wrdreg s24  }
0xaf: {  	[dreg:$0x3] =	wrdreg s2  }
0xb0: {  	[dreg:$0x4] =	wrdreg $0x41800  }
0xb1: {  	[dreg:$0x5] =	wrdreg $0x9  }
0xb2: {  	_ =	task.clear_ibuf [dreg:s7], $0x6FFFF;
	_ =	strace $0x90000046  }
0xb3: {  	s29 =	simm.s32 $0x9;
	_ =	strace $0x80000048  }
0xb4: {  	_ =	swait.ge [sflag:s29], $0x1  }
0xb5: {  	[sflag:s29] =	ssyncadd.s32 $0xFFFFFFFF  }
0xb6: {  	_ =	strace $0x90000048  }
0xb7: {  	_ =	sfence  }
0xb8: {  	s30 =	sld [smem:$0x0];
	_ =	sdelay $0x2  }
0xb9: {  	s31 =	sshll.u32 s1, $0xD;
	s1 =	sshrl.u32 s1, $0x2  }
0xba: {  	s3 =	sand.u32 $0x4000, s31;
	s1 =	sadd.s32 s1, s30  }
0xbb: {  	s0 =	sor.u32 s3, s0;
	s1 =	sshll.u32 s1, $0x11  }
0xbc: {  	s0 =	sor.u32 s1, s0  }
0xbd: {  	s0 =	sadd.s32 $0x8F2B, s0  }
0xbe: {  	[sflag:s0] =	ssyncadd.remote.s32 $0x1  }
0xbf: {  	_ =	sfence.sel $0xFFFF  }
0xc0: {  	[dreg:$0x0] =	wrdreg $0xFFFFFFFF;
	(pc) =	sbr.abs _section_cstart, $3  }
0xc1: {  	[dreg:$0x1] =	wrdreg $0xFFFFFFFF  }
0xc2: {  	_ =	task.clear_ibuf [dreg:s7], $0x2FFFF;
	_ =	strace $0x9FFFFFFF  }
0xc3: {  	(tm) =	ssettm $0x7FFFFFFF  }
tec
execute0_lowered:
.L_overlay_start_1:
0x0: {  	(tag) =	ssettag $0x1  }
0x1: {  	s5 =	rddreg [dreg:$0x0]  }
0x2: {  	s14 =	rddreg [dreg:$0x1]  }
0x3: {  	s1 =	rddreg [dreg:$0x2]  }
0x4: {  	s0 =	rddreg [dreg:$0x3]  }
0x5: {  	s3 =	simm.s32 $0x0;
	s2 =	stileid.u32;
	s6 =	srdreg.scid  }
0x6: {  	s28 =	simm.s32 $0x0;
	[smem:$0x7FF] =	sst s3;
	s7 =	smul.u32 $0x2800, s2  }
0x7: {  	s4 =	sadd.s32 $0xC800, s5;
	s6 =	sand.u32 $0x1, s6;
	s24 =	smul.u32 $0x50000, s2  }
0x8: {  	s8 =	sshll.u32 s2, $0x1;
	s10 =	sshrl.u32 s2, $0x2;
	s15 =	smul.u32 $0xA0, s2  }
0x9: {  	s16 =	sadd.s32 $0x2600, s5;
	s30 =	sshll.u32 s2, $0x6;
	s9 =	smul.u32 $0x28000, s6  }
0xa: {  	_ =	strace $0x80000047;
	s8 =	sor.u32 s6, s8;
	s10 =	smul.u32 $0x14000, s10  }
0xb: {  	s23 =	ssub.s32 $0x2, s6;
	s26 =	smul.u32 $0x50, s6;
	s11 =	sshll.u32 s8, $0x7  }
0xc: {  	s12 =	sadd.s32 s7, s5;
	s8 =	smul.u32 $0x500, s8;
	s25 =	sshrl.u32 s23, $0x1  }
0xd: {  	s29 =	sshrl.u32 s24, $0x2;
	s24 =	simm.s32 $0x1;
	s7 =	sadd.s32 s7, s9  }
0xe: {  	s20 =	sand.u32 $0x380, s11;
	s17 =	ssub.s32 s23, s25;
	s19 =	sadd.s32 s29, s1  }
0xf: {  	s15 =	sadd.s32 s26, s15;
	s9 =	sor.u32 $0x1C04, s30;
	s23 =	simm.s32 $0x18180  }
0x10: {  	s25 =	simm.s32 $0x100;
	s26 =	simm.s32 $0x400;
	s21 =	sadd.s32 s7, s5  }
0x11: {  	s22 =	sor.u32 s10, s20;
	s6 =	sadd.s32 s14, s8;
	s18 =	sshll.u32 s15, $0x4  }
0x12: {  	s19 =	sshrl.u32 s19, $0x3;
	s20 =	simm.s32 $0x4;
	s7 =	sshrl.u32 s22, $0x3  }
0x13: {  	s10 =	sadd.s32 $0x5C800, s21;
	s15 =	sor.u32 $0x20, s18;
	s31 =	sadd.s32 s18, s14  }
0x14: {  	s21 =	simm.s32 $0x2;
	s22 =	simm.s32 $0x3;
	s13 =	sadd.s32 s7, s5  }
0x15: {  	s5 =	sadd.s32 $0x13C000, s1;
	s7 =	sadd.s32 s16, s8;
	s8 =	sadd.s32 $0x34800, s12  }
0x16: {  	s12 =	smax.u32 s17, $0x1;
	s17 =	simm.s32 $0x180;
	s11 =	sadd.s32 $0xAC800, s13  }
0x17: {  	s13 =	sadd.s32 s15, s14;
	s14 =	sadd.s32 s15, s16;
	s16 =	sadd.s32 s18, s16  }
0x18: {  	v0 =	vimm.f32 $0.0e+00;
	v1 =	vimm.f32 $1.000000000e+00;
	s15 =	sadd.s32 $0x10, s31;
	s18 =	simm.s32 $0x80;
	s16 =	sadd.s32 $0x10, s16  }
.LBB2_1:
0x19: {  	[spmem:s5] =	stream.linear.scatter [tilespmem:s17], [sflag:$0x3], $0x4000, $0x38;
	[tilespmem:$0x1A980] =	vst v63  }
0x1a: {  	_ = 	snop  }
0x1b: {  	[tilespmem:s3], [sflag:$0x2] =	stream.linear.gather [hbm4b:s6+s3], $0x80, $0x38;
	[tilespmem:$0x1A980] =	vst v63  }
0x1c: {  	_ = 	snop  }
0x1d: {  	[tilespmem:s18], [sflag:$0x2] =	stream.linear.gather [hbm4b:s7+s3], $0x80, $0x38;
	[tilespmem:$0x1A980] =	vst v63  }
0x1e: {  	[spmem:s19], [sflag:s9] =	dma.local [hbm:s8], $0x2800  }
0x1f: {  	_ =	swait.ge [sflag:s20], $0x2800  }
0x20: {  	[sflag:s20] =	ssyncset.done $0x0  }
0x21: {  	s29 =	simm.s32 $0x40;
	s30 =	simm.s32 $0x0;
	[sflag:s20] =	ssyncadd.s32 $0xFFFFD800  }
.LBB2_2:
0x22: {  	p0 =	sne.s32 s29, $0x9FC0;
	[tilespmem:s30+$0x18180] =	vst v0;
	s30 =	smov.u32 s29;
	s29 =	sadd.s32 $0x40, s29  }
.Ltmp0:
0x23: {  	(pc) =	sbr.rel @p0 .LBB2_2-.Ltmp0, $2  }
0x24: {  	_ =	sdelay $0x2  }
0x25: {  	s30 =	sshra.s32 s30, $0x2  }
0x26: {  	[tilespmem:s30+$0x18180] =	vst v0  }
0x27: {  	s29 =	simm.s32 $0x0;
	[bflag:$0x0] =	sbarrier.arrive $0xFFFF  }
.LBB2_4:
0x28: {  	_ =	swait.ge [sflag:s21], $0x80  }
0x29: {  	[sflag:s21] =	ssyncset.done $0x0  }
0x2a: {  	[sflag:s21] =	ssyncadd.s32 $0xFFFFFF80  }
0x2b: {  	_ =	swait.ge [sflag:s21], $0x80  }
0x2c: {  	[sflag:s21] =	ssyncset.done $0x0  }
0x2d: {  	[sflag:s21] =	ssyncadd.s32 $0xFFFFFF80  }
0x2e: {  	_ =	swait.ge [sflag:s22], $0x4000  }
0x2f: {  	[sflag:s22] =	ssyncset.done $0x0  }
0x30: {  	[sflag:s22] =	ssyncadd.s32 $0xFFFFC000  }
0x31: {  	[tilespmem:s17], [sflag:$0x1] =	stream.indirect.gather [hbm4b:s4+s18], $0x80, s3, s18, $0xb8;
	[tilespmem:$0x1A980] =	vst v63  }
0x32: {  	v2 =	vld [tilespmem:$0x80];
	_ =	sdelay $0x7  }
0x33: {  	[tilespmem:v2+s23+$0x0] =	vst.idx.add.f32.msk $0xffff, v1  }
0x34: {  	v2 =	vld [tilespmem:$0x90];
	_ =	sdelay $0x7  }
0x35: {  	[tilespmem:v2+s23+$0x0] =	vst.idx.add.f32.msk $0xffff, v1  }
0x36: {  	v2 =	vld [tilespmem:$0xA0];
	_ =	sdelay $0x7  }
0x37: {  	[tilespmem:v2+s23+$0x0] =	vst.idx.add.f32.msk $0xffff, v1  }
0x38: {  	v2 =	vld [tilespmem:$0xB0];
	_ =	sdelay $0x7  }
0x39: {  	[tilespmem:v2+s23+$0x0] =	vst.idx.add.f32.msk $0xffff, v1  }
0x3a: {  	v2 =	vld [tilespmem:$0xC0];
	_ =	sdelay $0x7  }
0x3b: {  	[tilespmem:v2+s23+$0x0] =	vst.idx.add.f32.msk $0xffff, v1  }
0x3c: {  	v2 =	vld [tilespmem:$0xD0];
	_ =	sdelay $0x7  }
0x3d: {  	[tilespmem:v2+s23+$0x0] =	vst.idx.add.f32.msk $0xffff, v1  }
0x3e: {  	v2 =	vld [tilespmem:$0xE0];
	_ =	sdelay $0x7  }
0x3f: {  	[tilespmem:v2+s23+$0x0] =	vst.idx.add.f32.msk $0xffff, v1  }
0x40: {  	v2 =	vld [tilespmem:$0xF0];
	_ =	sdelay $0x7  }
0x41: {  	[tilespmem:v2+s23+$0x0] =	vst.idx.add.f32.msk $0xffff, v1  }
0x42: {  	_ =	swait.ge [sflag:s24], $0x4000  }
0x43: {  	[sflag:s24] =	ssyncset.done $0x0  }
0x44: {  	[sflag:s24] =	ssyncadd.s32 $0xFFFFC000  }
0x45: {  	[spmem:s1] =	stream.indirect.scatter.add.f32 [tilespmem:s17], [sflag:$0x3], $0x80, s18, s18, $0xb8;
	[tilespmem:$0x1A980] =	vst v63  }
0x46: {  	s30 =	sadd.s32 s29, s15  }
0x47: {  	[tilespmem:s3], [sflag:$0x2] =	stream.linear.gather [hbm4b:s30+s3], $0x80, $0x38;
	[tilespmem:$0x1A980] =	vst v63  }
0x48: {  	s31 =	sadd.s32 s29, s16  }
0x49: {  	[tilespmem:s25], [sflag:$0x2] =	stream.linear.gather [hbm4b:s31+s3], $0x80, $0x38;
	[tilespmem:$0x1A980] =	vst v63  }
0x4a: {  	_ =	swait.ge [sflag:s21], $0x80  }
0x4b: {  	[sflag:s21] =	ssyncset.done $0x0  }
0x4c: {  	[sflag:s21] =	ssyncadd.s32 $0xFFFFFF80  }
0x4d: {  	_ =	swait.ge [sflag:s21], $0x80  }
0x4e: {  	[sflag:s21] =	ssyncset.done $0x0  }
0x4f: {  	[sflag:s21] =	ssyncadd.s32 $0xFFFFFF80  }
0x50: {  	_ =	swait.ge [sflag:s22], $0x4000  }
0x51: {  	[sflag:s22] =	ssyncset.done $0x0  }
0x52: {  	[sflag:s22] =	ssyncadd.s32 $0xFFFFC000  }
0x53: {  	[tilespmem:s17], [sflag:$0x1] =	stream.indirect.gather [hbm4b:s4+s18], $0x80, s3, s18, $0xb8;
	[tilespmem:$0x1A980] =	vst v63  }
0x54: {  	v2 =	vld [tilespmem:$0x100];
	_ =	sdelay $0x7  }
0x55: {  	[tilespmem:v2+s23+$0x0] =	vst.idx.add.f32.msk $0xffff, v1  }
0x56: {  	v2 =	vld [tilespmem:$0x110];
	_ =	sdelay $0x7  }
0x57: {  	[tilespmem:v2+s23+$0x0] =	vst.idx.add.f32.msk $0xffff, v1  }
0x58: {  	v2 =	vld [tilespmem:$0x120];
	_ =	sdelay $0x7  }
0x59: {  	[tilespmem:v2+s23+$0x0] =	vst.idx.add.f32.msk $0xffff, v1  }
0x5a: {  	v2 =	vld [tilespmem:$0x130];
	_ =	sdelay $0x7  }
0x5b: {  	[tilespmem:v2+s23+$0x0] =	vst.idx.add.f32.msk $0xffff, v1  }
0x5c: {  	v2 =	vld [tilespmem:$0x140];
	_ =	sdelay $0x7  }
0x5d: {  	[tilespmem:v2+s23+$0x0] =	vst.idx.add.f32.msk $0xffff, v1  }
0x5e: {  	v2 =	vld [tilespmem:$0x150];
	_ =	sdelay $0x7  }
0x5f: {  	[tilespmem:v2+s23+$0x0] =	vst.idx.add.f32.msk $0xffff, v1  }
0x60: {  	v2 =	vld [tilespmem:$0x160];
	_ =	sdelay $0x7  }
0x61: {  	[tilespmem:v2+s23+$0x0] =	vst.idx.add.f32.msk $0xffff, v1  }
0x62: {  	v2 =	vld [tilespmem:$0x170];
	_ =	sdelay $0x7  }
0x63: {  	[tilespmem:v2+s23+$0x0] =	vst.idx.add.f32.msk $0xffff, v1  }
0x64: {  	_ =	swait.ge [sflag:s24], $0x4000  }
0x65: {  	[sflag:s24] =	ssyncset.done $0x0  }
0x66: {  	p0 =	sne.s32 s29, $0x4E0;
	[sflag:s24] =	ssyncadd.s32 $0xFFFFC000  }
0x67: {  	[spmem:s1] =	stream.indirect.scatter.add.f32 [tilespmem:s17], [sflag:$0x3], $0x80, s25, s18, $0xb8;
	[tilespmem:$0x1A980] =	vst v63  }
.Ltmp1:
0x68: {  	_ = 	snop;
	(pc) =	sbr.rel @p0 .LBB2_4-.Ltmp1, $4  }
0x69: {  	s31 =	sadd.s32 s29, s13  }
0x6a: {  	[tilespmem:s3], [sflag:$0x2] =	stream.linear.gather [hbm4b:s31+s3], $0x80, $0x38;
	[tilespmem:$0x1A980] =	vst v63  }
0x6b: {  	s31 =	sadd.s32 s29, s14;
	s29 =	sadd.s32 $0x20, s29  }
0x6c: {  	[tilespmem:s18], [sflag:$0x2] =	stream.linear.gather [hbm4b:s31+s3], $0x80, $0x38;
	[tilespmem:$0x1A980] =	vst v63  }
0x6d: {  	_ =	swait.ge [sflag:s22], $0x4000  }
0x6e: {  	[sflag:s22] =	ssyncset.done $0x0  }
0x6f: {  	[sflag:s22] =	ssyncadd.s32 $0xFFFFC000  }
0x70: {  	_ =	swait.ge [sflag:s21], $0x80  }
0x71: {  	[sflag:s21] =	ssyncset.done $0x0  }
0x72: {  	[sflag:s21] =	ssyncadd.s32 $0xFFFFFF80  }
0x73: {  	_ =	swait.ge [sflag:s21], $0x80  }
0x74: {  	[sflag:s21] =	ssyncset.done $0x0  }
0x75: {  	[sflag:s21] =	ssyncadd.s32 $0xFFFFFF80  }
0x76: {  	[bflag:$0x0] =	sbarrier.arrive $0xFFFF  }
0x77: {  	[hbm:s10], [sflag:s9] =	dma.local [spmem:s19], $0x2800  }
0x78: {  	s28 =	sadd.s32 $0x1, s28;
	_ =	swait.ge [sflag:s20], $0x2800  }
0x79: {  	p0 =	sne.s32 s28, s12;
	[sflag:s20] =	ssyncset.done $0x0  }
.Ltmp2:
0x7a: {  	[sflag:s20] =	ssyncadd.s32 $0xFFFFD800;
	(pc) =	sbr.rel @p0 .LBB2_1-.Ltmp2, $4  }
0x7b: {  	[hbm4b:s11+s18] =	stream.strided.scatter [tilespmem:s23], [sflag:$0x4], $0x2800, s26, s18, $0x38;
	[tilespmem:$0x1A980] =	vst v63  }
0x7c: {  	_ =	swait.ge [sflag:s20], $0x2800  }
0x7d: {  	[sflag:s20] =	ssyncset.done $0x0  }
0x7e: {  	[sflag:s20] =	ssyncadd.s32 $0xFFFFD800  }
0x7f: {  	_ =	sfence.sel $0x180000  }
0x80: {  	[bflag:$0x0] =	sbarrier.arrive $0xFFFF  }
0x81: {  	p0 =	sne.s32 s2, $0x0;
	_ =	strace $0x90000047  }
0x82: {  	s0 =	sadd.s32 @!p0 $0x100000, s0;
	[bflag:$0x2] =	sbarrier.arrive $0xFFFF  }
0x83: {  	[sflag:s0] =	ssyncadd.tile.s32 @!p0 $0x1;
	_ =	shalt  }
.Lfunc_end2:
_tile_overlayer_lowered:
.L_overlay_start_2:
0x84: {  	(tag) =	ssettag $0x2  }
0x85: {  	s0 =	rddreg [dreg:$0x0];
	s2 =	stileid.u32  }
0x86: {  	s1 =	rddreg [dreg:$0x1];
	p0 =	sne.s32 s2, $0x0  }
0x87: {  	s3 =	rddreg [dreg:$0x2];
	[bflag:$0x3] =	sbarrier.arrive $0xFFFF;
	s2 =	simm.s32 @!p0 $0x1C04  }
0x88: {  	[timem:s3], [sflag:s2] =	dma.local @!p0 [hbm:s0], s1  }
0x89: {  	s0 =	simm.s32 @!p0 $0x4  }
0x8a: {  	_ =	swait.ge @!p0 [sflag:s0], s1  }
0x8b: {  	s1 =	ssub.s32 @!p0 $0x0, s1;
	[sflag:s0] =	ssyncset.done @!p0 $0x0  }
0x8c: {  	[sflag:s0] =	ssyncadd.s32 @!p0 s1  }
0x8d: {  	[bflag:$0x3] =	sbarrier.arrive $0xFFFF  }
0x8e: {  	_ =	shalt  }

// kernel: kernel.9.cloned.1.call-start
scs
__scs_entry_jumppad:
0x0: {  	(pc) =	sbr.rel $0x88, $3  }
0x1: {  	(tag) =	ssettag $0x0;
	lr =	simm.s32 $0x1  }
0x2: {  	[smem:$0x3F99] =	sst lr;
	_ =	strace $0xD0000000  }
0x3: {  	_ = 	snop  }
0x4: {  	_ = 	snop  }
0x5: {  	_ = 	snop  }
0x6: {  	_ = 	snop  }
0x7: {  	_ = 	snop  }
__scs_overlays_trampoline_lowered:
0x8: {  	[smem:$0x3FA8] =	sst s0  }
0x9: {  	[smem:$0x3FA9] =	sst s1  }
0xa: {  	[smem:$0x3FAA] =	sst s2  }
0xb: {  	[smem:$0x3FAB] =	sst s3  }
0xc: {  	[smem:$0x3FAC] =	sst s4  }
0xd: {  	[smem:$0x3FAD] =	sst s5  }
0xe: {  	[smem:$0x3FAE] =	sst s6  }
0xf: {  	[smem:$0x3FAF] =	sst s7  }
0x10: {  	[smem:$0x3FB0] =	sst s8  }
0x11: {  	[smem:$0x3FB1] =	sst s9;
	s0 =	simm.s32 @!p0 $0x0  }
0x12: {  	s1 =	sld [smem:$0x3F97];
	s0 =	simm.s32 @p0 $0x1  }
0x13: {  	[smem:$0x3FB2] =	sst s0;
	s0 =	simm.s32 @!p1 $0x0  }
0x14: {  	s2 =	sld [smem:$0x3F96];
	s0 =	simm.s32 @p1 $0x1  }
0x15: {  	[smem:$0x3FB3] =	sst s0;
	s0 =	simm.s32 @!p2 $0x0  }
0x16: {  	s3 =	sld [smem:$0x3FDB];
	s0 =	simm.s32 @p2 $0x1  }
0x17: {  	s4 =	simm.s32 $0x1BF5;
	[smem:$0x3FB5] =	sst s0  }
0x18: {  	s0 =	sld [smem:$0x3F98];
	_ =	swait.ge [sflag:s4], $0x0  }
0x19: {  	s7 =	sld [smem:$0x3F99]  }
0x1a: {  	s8 =	sadd.s32 $0xFFFFE003, lr  }
0x1b: {  	s9 =	sadd.s32 $0xFFFFFEF7, lr;
	s5 =	simm.s32 $0xFFFFFFFF;
	p2 =	slt.u32 s8, $0xFFFFF086  }
0x1c: {  	p1 =	slt.u32 s9, $0xF7A;
	s5 =	simm.s32 @!p2 $0x0  }
0x1d: {  	s5 =	simm.s32 @p1 $0x1;
	p0 =	seq.s32 s7, s2  }
0x1e: {  	s7 =	smul.u32 @!p0 $0xF7A, s2;
	p2 =	seq.s32 @!p0 s5, $0x0  }
0x1f: {  	s9 =	smul.u32 $0xF7A, s1;
	s8 =	simm.s32 @!p0 $0x1BF5;
	p2 =	por !p2, p0  }
0x20: {  	[sflag:s8] =	ssyncset.s32 @!p0 $0xFFFFF086;
	s6 =	sadd.s32 @!p0 s3, s7;
	s7 =	simm.s32 @!p0 $0x108  }
0x21: {  	s3 =	sadd.s32 s3, s9;
	s6 =	sadd.s32 @!p0 $0x88, s6;
	s7 =	simm.s32 @p2 $0x1082  }
0x22: {  	[simem:s7], [sflag:s8] =	dma.local @!p0 [hbm:s6], $0xF7A  }
0x23: {  	s9 =	sor.u32 $0xD0000000, s2;
	s6 =	simm.s32 $0x108;
	_ =	swait.ge @!p0 [sflag:s8], $0x0  }
0x24: {  	s3 =	sadd.s32 $0x88, s3;
	s6 =	simm.s32 @!p1 $0x1082;
	[sflag:s4] =	ssyncset.s32 $0xFFFFF086  }
0x25: {  	[simem:s6], [sflag:s4] =	dma.local [hbm:s3], $0xF7A  }
0x26: {  	[smem:$0x3F99] =	sst s1;
	(tag) =	ssettag s2;
	_ =	strace s9  }
0x27: {  	s1 =	sld [smem:$0x3FA9]  }
0x28: {  	s2 =	sld [smem:$0x3FAA]  }
0x29: {  	s4 =	sld [smem:$0x3FAC]  }
0x2a: {  	p0 =	seq.s32 s5, $0x0;
	s5 =	sld [smem:$0x3FAD]  }
0x2b: {  	s6 =	sld [smem:$0x3FAE]  }
0x2c: {  	s7 =	sld [smem:$0x3FAF]  }
0x2d: {  	s3 =	simm.s32 $0x108;
	s8 =	sld [smem:$0x3FB0]  }
0x2e: {  	s3 =	simm.s32 @!p0 $0x1082;
	s9 =	sld [smem:$0x3FB1]  }
0x2f: {  	lr =	sadd.s32 s0, s3;
	s0 =	sld [smem:$0x3FA8]  }
0x30: {  	s3 =	sld [smem:$0x3FAB]  }
0x31: {  	[smem:$0x3FB4] =	sst s10  }
0x32: {  	s10 =	sld [smem:$0x3FB2];
	_ =	sdelay $0x3  }
0x33: {  	p0 =	seq.s32 s10, $0x1;
	s10 =	sld [smem:$0x3FB4];
	_ =	sdelay $0x3  }
0x34: {  	[smem:$0x3FB4] =	sst s10  }
0x35: {  	s10 =	sld [smem:$0x3FB3];
	_ =	sdelay $0x3  }
0x36: {  	p1 =	seq.s32 s10, $0x1;
	s10 =	sld [smem:$0x3FB4];
	_ =	sdelay $0x3  }
0x37: {  	[smem:$0x3FB4] =	sst s10  }
0x38: {  	s10 =	sld [smem:$0x3FB5]  }
0x39: {  	_ = 	snop;
	(pc) =	sbr.ind lr, $3  }
0x3a: {  	_ = 	snop  }
0x3b: {  	_ = 	snop  }
0x3c: {  	p2 =	seq.s32 s10, $0x1;
	s10 =	sld [smem:$0x3FB4]  }
0x3d: {  	_ =	shalt  }
0x3e: {  	_ =	shalt  }
0x3f: {  	_ =	shalt  }
0x40: {  	_ =	shalt  }
0x41: {  	_ =	shalt  }
0x42: {  	_ =	shalt  }
0x43: {  	_ =	shalt  }
0x44: {  	_ =	shalt  }
0x45: {  	_ =	shalt  }
0x46: {  	_ =	shalt  }
0x47: {  	_ =	shalt  }
0x48: {  	_ =	shalt  }
0x49: {  	_ =	shalt  }
0x4a: {  	_ =	shalt  }
0x4b: {  	_ =	shalt  }
0x4c: {  	_ =	shalt  }
0x4d: {  	_ =	shalt  }
0x4e: {  	_ =	shalt  }
0x4f: {  	_ =	shalt  }
0x50: {  	_ =	shalt  }
0x51: {  	_ =	shalt  }
0x52: {  	_ =	shalt  }
0x53: {  	_ =	shalt  }
0x54: {  	_ =	shalt  }
0x55: {  	_ =	shalt  }
0x56: {  	_ =	shalt  }
0x57: {  	_ =	shalt  }
0x58: {  	_ =	shalt  }
0x59: {  	_ =	shalt  }
0x5a: {  	_ =	shalt  }
0x5b: {  	_ =	shalt  }
0x5c: {  	_ =	shalt  }
0x5d: {  	_ =	shalt  }
0x5e: {  	_ =	shalt  }
0x5f: {  	_ =	shalt  }
0x60: {  	_ =	shalt  }
0x61: {  	_ =	shalt  }
0x62: {  	_ =	shalt  }
0x63: {  	_ =	shalt  }
0x64: {  	_ =	shalt  }
0x65: {  	_ =	shalt  }
0x66: {  	_ =	shalt  }
0x67: {  	_ =	shalt  }
0x68: {  	_ =	shalt  }
0x69: {  	_ =	shalt  }
0x6a: {  	_ =	shalt  }
0x6b: {  	_ =	shalt  }
0x6c: {  	_ =	shalt  }
0x6d: {  	_ =	shalt  }
0x6e: {  	_ =	shalt  }
0x6f: {  	_ =	shalt  }
0x70: {  	_ =	shalt  }
0x71: {  	_ =	shalt  }
0x72: {  	_ =	shalt  }
0x73: {  	_ =	shalt  }
0x74: {  	_ =	shalt  }
0x75: {  	_ =	shalt  }
0x76: {  	_ =	shalt  }
0x77: {  	_ =	shalt  }
0x78: {  	_ =	shalt  }
0x79: {  	_ =	shalt  }
0x7a: {  	_ =	shalt  }
0x7b: {  	_ =	shalt  }
0x7c: {  	_ =	shalt  }
0x7d: {  	_ =	shalt  }
0x7e: {  	_ =	shalt  }
0x7f: {  	_ =	shalt  }
0x80: {  	_ =	shalt  }
0x81: {  	_ =	shalt  }
0x82: {  	_ =	shalt  }
0x83: {  	_ =	shalt  }
0x84: {  	_ =	shalt  }
0x85: {  	_ =	shalt  }
0x86: {  	_ =	shalt  }
0x87: {  	_ =	shalt  }
.Lfunc_end0:
.L_simem_size_0:
called_computation.1_lowered:
.L_overlay_start_0:
0x88: {  	s2 =	sld [smem:$0x3FD9]  }
0x89: {  	s3 =	sld [smem:$0x3FFE];
	_ =	sdelay $0x1  }
0x8a: {  	s1 =	srdreg.scid  }
0x8b: {  	s0 =	sand.u32 $0x1, s1  }
0x8c: {  	s17 =	sshll.u32 s0, $0xA;
	s2 =	sadd.s32 s3, s2  }
0x8d: {  	s2 =	sadd.s32 s2, s17  }
0x8e: {  	[smem:$0x3FC0] =	sst s2  }
0x8f: {  	_ = 	snop  }
0x90: {  	s2 =	sld [smem:$0x3FD0];
	(tm) =	ssettm $0x1  }
0x91: {  	s18 =	sld [smem:$0x3FFB];
	_ =	sdelay $0x3  }
0x92: {  	_ =	strace s18  }
0x93: {  	s3 =	sld [smem:$0x3FFC];
	_ =	sdelay $0x3  }
0x94: {  	_ =	strace s3  }
0x95: {  	s3 =	sld [smem:$0x3FFD];
	_ =	sdelay $0x3  }
0x96: {  	_ =	strace s3  }
0x97: {  	_ =	strace $0x8FFFFFFF  }
0x98: {  	s19 =	sld [smem:$0x3FDB];
	_ =	sdelay $0x1  }
0x99: {  	s4 =	simm.s32 $_scs_section_size  }
0x9a: {  	s5 =	simm.s32 $_size__tile_overlayer_lowered;
	s6 =	simm.s32 $_tile_overlayer_lowered  }
0x9b: {  	s22 =	simm.s32 $0x1BFF;
	s21 =	sshll.u32 s6, $0x1;
	s3 =	sadd.s32 s4, s19  }
0x9c: {  	s7 =	simm.s32 $0x0;
	s20 =	sshll.u32 s5, $0x1;
	s5 =	sadd.s32 s21, s3  }
0x9d: {  	[timem:s7], [sflag:s22] =	dma.local [hbm:s5], s20  }
0x9e: {  	_ =	swait.ge [sflag:s22], s20  }
0x9f: {  	s4 =	ssub.s32 $0x0, s20;
	[sflag:s22] =	ssyncset.done $0x0  }
0xa0: {  	[sflag:s22] =	ssyncadd.s32 s4;
	_ =	sdelay $0x1  }
0xa1: {  	s23 =	simm.s32 $0x1B8B  }
0xa2: {  	_ =	swait.ge [sflag:s23], $0x1  }
0xa3: {  	[sflag:s23] =	ssyncset.done $0x0  }
0xa4: {  	s25 =	simm.s32 $0x1B8E;
	s24 =	sld [smem:$0x3FFE];
	[sflag:s23] =	ssyncadd.s32 $0xFFFFFFFF  }
0xa5: {  	s26 =	simm.s32 $execute0_lowered;
	[smem:$0x3FD2] =	sst s25  }
0xa6: {  	s5 =	sshll.u32 s26, $0x1;
	_ =	strace $0x80000049;
	[dreg:$0x1] =	wrdreg $0xFFFFFFFF  }
0xa7: {  	s28 =	simm.s32 $_size_execute0_lowered;
	s3 =	sadd.s32 s3, s5;
	[dreg:$0x0] =	wrdreg $0x0  }
0xa8: {  	s5 =	sshll.u32 s28, $0x1;
	[dreg:$0x2] =	wrdreg s3  }
0xa9: {  	[dreg:$0x3] =	wrdreg s5  }
0xaa: {  	[dreg:$0x4] =	wrdreg $0xC0  }
0xab: {  	_ =	task [dreg:s7], $0x5FFFF  }
0xac: {  	[dreg:$0x1] =	wrdreg $0xFFFFFFFF  }
0xad: {  	[dreg:$0x0] =	wrdreg $0x60  }
0xae: {  	[dreg:$0x2] =	wrdreg s24  }
0xaf: {  	[dreg:$0x3] =	wrdreg s2  }
0xb0: {  	[dreg:$0x4] =	wrdreg $0x41800  }
0xb1: {  	[dreg:$0x5] =	wrdreg $0x9  }
0xb2: {  	_ =	task.clear_ibuf [dreg:s7], $0x6FFFF;
	_ =	strace $0x90000049  }
0xb3: {  	s29 =	simm.s32 $0x9;
	_ =	strace $0x8000004B  }
0xb4: {  	_ =	swait.ge [sflag:s29], $0x1  }
0xb5: {  	[sflag:s29] =	ssyncadd.s32 $0xFFFFFFFF  }
0xb6: {  	_ =	strace $0x9000004B  }
0xb7: {  	_ =	sfence  }
0xb8: {  	s30 =	sld [smem:$0x0];
	_ =	sdelay $0x2  }
0xb9: {  	s31 =	sshll.u32 s1, $0xD;
	s1 =	sshrl.u32 s1, $0x2  }
0xba: {  	s3 =	sand.u32 $0x4000, s31;
	s1 =	sadd.s32 s1, s30  }
0xbb: {  	s0 =	sor.u32 s3, s0;
	s1 =	sshll.u32 s1, $0x11  }
0xbc: {  	s0 =	sor.u32 s1, s0  }
0xbd: {  	s0 =	sadd.s32 $0x8F2B, s0  }
0xbe: {  	[sflag:s0] =	ssyncadd.remote.s32 $0x1  }
0xbf: {  	_ =	sfence.sel $0xFFFF  }
0xc0: {  	[dreg:$0x0] =	wrdreg $0xFFFFFFFF;
	(pc) =	sbr.abs _section_cstart, $3  }
0xc1: {  	[dreg:$0x1] =	wrdreg $0xFFFFFFFF  }
0xc2: {  	_ =	task.clear_ibuf [dreg:s7], $0x2FFFF;
	_ =	strace $0x9FFFFFFF  }
0xc3: {  	(tm) =	ssettm $0x7FFFFFFF  }
tec
execute0_lowered:
.L_overlay_start_1:
0x0: {  	(tag) =	ssettag $0x1  }
0x1: {  	s5 =	rddreg [dreg:$0x0]  }
0x2: {  	s13 =	rddreg [dreg:$0x1]  }
0x3: {  	s1 =	rddreg [dreg:$0x2]  }
0x4: {  	s0 =	rddreg [dreg:$0x3];
	s3 =	simm.s32 $0x0;
	s2 =	stileid.u32  }
0x5: {  	s4 =	srdreg.scid;
	s19 =	simm.s32 $0x4;
	s20 =	simm.s32 $0x2  }
0x6: {  	s21 =	simm.s32 $0x3;
	s22 =	simm.s32 $0x1;
	s23 =	simm.s32 $0x100  }
0x7: {  	s24 =	simm.s32 $0x0;
	[smem:$0x7FF] =	sst s3;
	s6 =	smul.u32 $0x2800, s2  }
0x8: {  	s7 =	sand.u32 $0x1, s4;
	s8 =	sshll.u32 s2, $0x1;
	s11 =	smul.u32 $0x50000, s2  }
0x9: {  	s4 =	sadd.s32 $0xC800, s5;
	s14 =	sadd.s32 $0x2600, s5;
	s15 =	smul.u32 $0xA0, s2  }
0xa: {  	s30 =	sshll.u32 s2, $0x6;
	_ =	strace $0x8000004A;
	s9 =	smul.u32 $0x28000, s7  }
0xb: {  	s8 =	sor.u32 s7, s8;
	s25 =	ssub.s32 $0x2, s7;
	s28 =	smul.u32 $0x50, s7  }
0xc: {  	s10 =	sadd.s32 s6, s5;
	s8 =	smul.u32 $0x500, s8;
	s26 =	sshrl.u32 s25, $0x1  }
0xd: {  	s29 =	sshrl.u32 s11, $0x2;
	s6 =	sadd.s32 s6, s9;
	s16 =	ssub.s32 s25, s26  }
0xe: {  	s18 =	sadd.s32 s29, s1;
	s15 =	sadd.s32 s28, s15;
	s9 =	sor.u32 $0x1C04, s30  }
0xf: {  	s12 =	sadd.s32 s6, s5;
	s5 =	sadd.s32 $0x13C000, s1;
	s6 =	sadd.s32 s13, s8  }
0x10: {  	s7 =	sadd.s32 s14, s8;
	s8 =	sadd.s32 $0x34800, s10;
	s15 =	sshll.u32 s15, $0x4  }
0x11: {  	s11 =	smax.u32 s16, $0x1;
	s16 =	simm.s32 $0x180;
	s18 =	sshrl.u32 s18, $0x3  }
0x12: {  	s10 =	sadd.s32 $0x5C800, s12;
	s31 =	sor.u32 $0x20, s15;
	s17 =	sadd.s32 s15, s13  }
0x13: {  	s15 =	sadd.s32 s15, s14;
	s12 =	sadd.s32 s31, s13;
	s13 =	sadd.s32 s31, s14  }
0x14: {  	s14 =	sadd.s32 $0x10, s17;
	s15 =	sadd.s32 $0x10, s15;
	s17 =	simm.s32 $0x80  }
.LBB2_1:
0x15: {  	[spmem:s5] =	stream.linear.scatter [tilespmem:s16], [sflag:$0x3], $0x4000, $0x38;
	[tilespmem:$0x18180] =	vst v63  }
0x16: {  	_ = 	snop  }
0x17: {  	[tilespmem:s3], [sflag:$0x2] =	stream.linear.gather [hbm4b:s6+s3], $0x80, $0x38;
	[tilespmem:$0x18180] =	vst v63  }
0x18: {  	_ = 	snop  }
0x19: {  	[tilespmem:s17], [sflag:$0x2] =	stream.linear.gather [hbm4b:s7+s3], $0x80, $0x38;
	[tilespmem:$0x18180] =	vst v63  }
0x1a: {  	[spmem:s18], [sflag:s9] =	dma.local [hbm:s8], $0x2800  }
0x1b: {  	_ =	swait.ge [sflag:s19], $0x2800  }
0x1c: {  	[sflag:s19] =	ssyncset.done $0x0  }
0x1d: {  	[sflag:s19] =	ssyncadd.s32 $0xFFFFD800  }
0x1e: {  	[bflag:$0x0] =	sbarrier.arrive $0xFFFF  }
0x1f: {  	_ =	swait.ge [sflag:s20], $0x80  }
0x20: {  	[sflag:s20] =	ssyncset.done $0x0  }
0x21: {  	[sflag:s20] =	ssyncadd.s32 $0xFFFFFF80  }
0x22: {  	_ =	swait.ge [sflag:s20], $0x80  }
0x23: {  	[sflag:s20] =	ssyncset.done $0x0  }
0x24: {  	[sflag:s20] =	ssyncadd.s32 $0xFFFFFF80  }
0x25: {  	_ =	swait.ge [sflag:s21], $0x4000  }
0x26: {  	[sflag:s21] =	ssyncset.done $0x0  }
0x27: {  	[sflag:s21] =	ssyncadd.s32 $0xFFFFC000  }
0x28: {  	[tilespmem:s16], [sflag:$0x1] =	stream.indirect.gather [hbm4b:s4+s17], $0x80, s3, s17, $0xb8;
	[tilespmem:$0x18180] =	vst v63  }
0x29: {  	_ =	swait.ge [sflag:s22], $0x4000  }
0x2a: {  	[sflag:s22] =	ssyncset.done $0x0  }
0x2b: {  	[sflag:s22] =	ssyncadd.s32 $0xFFFFC000  }
0x2c: {  	[spmem:s1] =	stream.indirect.scatter.add.f32 [tilespmem:s16], [sflag:$0x3], $0x80, s17, s17, $0xb8;
	[tilespmem:$0x18180] =	vst v63  }
0x2d: {  	s25 =	sadd.s32 $0x0, s14  }
0x2e: {  	[tilespmem:s3], [sflag:$0x2] =	stream.linear.gather [hbm4b:s25+s3], $0x80, $0x38;
	[tilespmem:$0x18180] =	vst v63  }
0x2f: {  	s30 =	sadd.s32 $0x0, s15  }
0x30: {  	[tilespmem:s23], [sflag:$0x2] =	stream.linear.gather [hbm4b:s30+s3], $0x80, $0x38;
	[tilespmem:$0x18180] =	vst v63  }
0x31: {  	_ =	swait.ge [sflag:s20], $0x80  }
0x32: {  	[sflag:s20] =	ssyncset.done $0x0  }
0x33: {  	[sflag:s20] =	ssyncadd.s32 $0xFFFFFF80  }
0x34: {  	_ =	swait.ge [sflag:s20], $0x80  }
0x35: {  	[sflag:s20] =	ssyncset.done $0x0  }
0x36: {  	[sflag:s20] =	ssyncadd.s32 $0xFFFFFF80  }
0x37: {  	_ =	swait.ge [sflag:s21], $0x4000  }
0x38: {  	[sflag:s21] =	ssyncset.done $0x0  }
0x39: {  	[sflag:s21] =	ssyncadd.s32 $0xFFFFC000  }
0x3a: {  	[tilespmem:s16], [sflag:$0x1] =	stream.indirect.gather [hbm4b:s4+s17], $0x80, s3, s17, $0xb8;
	[tilespmem:$0x18180] =	vst v63  }
0x3b: {  	_ =	swait.ge [sflag:s22], $0x4000  }
0x3c: {  	[sflag:s22] =	ssyncset.done $0x0  }
0x3d: {  	[sflag:s22] =	ssyncadd.s32 $0xFFFFC000  }
0x3e: {  	[spmem:s1] =	stream.indirect.scatter.add.f32 [tilespmem:s16], [sflag:$0x3], $0x80, s23, s17, $0xb8;
	[tilespmem:$0x18180] =	vst v63  }
0x3f: {  	s31 =	sadd.s32 $0x0, s12;
	s26 =	sadd.s32 $0x0, s13;
	s25 =	simm.s32 $0x20  }
0x40: {  	[tilespmem:s3], [sflag:$0x2] =	stream.linear.gather [hbm4b:s31+s3], $0x80, $0x38;
	[tilespmem:$0x18180] =	vst v63  }
.LBB2_2:
0x41: {  	[tilespmem:s17], [sflag:$0x2] =	stream.linear.gather [hbm4b:s26+s3], $0x80, $0x38;
	[tilespmem:$0x18180] =	vst v63  }
0x42: {  	s26 =	smov.u32 s25  }
0x43: {  	p0 =	sne.s32 s25, $0x4E0;
	s25 =	sadd.s32 $0x20, s25;
	_ =	swait.ge [sflag:s20], $0x80  }
0x44: {  	[sflag:s20] =	ssyncset.done $0x0  }
0x45: {  	[sflag:s20] =	ssyncadd.s32 $0xFFFFFF80  }
0x46: {  	_ =	swait.ge [sflag:s20], $0x80  }
0x47: {  	[sflag:s20] =	ssyncset.done $0x0  }
0x48: {  	[sflag:s20] =	ssyncadd.s32 $0xFFFFFF80  }
0x49: {  	_ =	swait.ge [sflag:s21], $0x4000  }
0x4a: {  	[sflag:s21] =	ssyncset.done $0x0  }
0x4b: {  	[sflag:s21] =	ssyncadd.s32 $0xFFFFC000  }
0x4c: {  	[tilespmem:s16], [sflag:$0x1] =	stream.indirect.gather [hbm4b:s4+s17], $0x80, s3, s17, $0xb8;
	[tilespmem:$0x18180] =	vst v63  }
0x4d: {  	_ =	swait.ge [sflag:s22], $0x4000  }
0x4e: {  	[sflag:s22] =	ssyncset.done $0x0  }
0x4f: {  	[sflag:s22] =	ssyncadd.s32 $0xFFFFC000  }
0x50: {  	[spmem:s1] =	stream.indirect.scatter.add.f32 [tilespmem:s16], [sflag:$0x3], $0x80, s17, s17, $0xb8;
	[tilespmem:$0x18180] =	vst v63  }
0x51: {  	s28 =	sadd.s32 s26, s14  }
0x52: {  	[tilespmem:s3], [sflag:$0x2] =	stream.linear.gather [hbm4b:s28+s3], $0x80, $0x38;
	[tilespmem:$0x18180] =	vst v63  }
0x53: {  	s28 =	sadd.s32 s26, s15  }
0x54: {  	[tilespmem:s23], [sflag:$0x2] =	stream.linear.gather [hbm4b:s28+s3], $0x80, $0x38;
	[tilespmem:$0x18180] =	vst v63  }
0x55: {  	_ =	swait.ge [sflag:s20], $0x80  }
0x56: {  	[sflag:s20] =	ssyncset.done $0x0  }
0x57: {  	[sflag:s20] =	ssyncadd.s32 $0xFFFFFF80  }
0x58: {  	_ =	swait.ge [sflag:s20], $0x80  }
0x59: {  	[sflag:s20] =	ssyncset.done $0x0  }
0x5a: {  	[sflag:s20] =	ssyncadd.s32 $0xFFFFFF80  }
0x5b: {  	_ =	swait.ge [sflag:s21], $0x4000  }
0x5c: {  	[sflag:s21] =	ssyncset.done $0x0  }
0x5d: {  	[sflag:s21] =	ssyncadd.s32 $0xFFFFC000  }
0x5e: {  	[tilespmem:s16], [sflag:$0x1] =	stream.indirect.gather [hbm4b:s4+s17], $0x80, s3, s17, $0xb8;
	[tilespmem:$0x18180] =	vst v63  }
0x5f: {  	_ =	swait.ge [sflag:s22], $0x4000  }
0x60: {  	[sflag:s22] =	ssyncset.done $0x0  }
.Ltmp0:
0x61: {  	[sflag:s22] =	ssyncadd.s32 $0xFFFFC000;
	(pc) =	sbr.rel @p0 .LBB2_2-.Ltmp0, $4  }
0x62: {  	[spmem:s1] =	stream.indirect.scatter.add.f32 [tilespmem:s16], [sflag:$0x3], $0x80, s23, s17, $0xb8;
	[tilespmem:$0x18180] =	vst v63  }
0x63: {  	s28 =	sadd.s32 s26, s12  }
0x64: {  	[tilespmem:s3], [sflag:$0x2] =	stream.linear.gather [hbm4b:s28+s3], $0x80, $0x38;
	[tilespmem:$0x18180] =	vst v63  }
0x65: {  	s26 =	sadd.s32 s26, s13  }
0x66: {  	[tilespmem:s17], [sflag:$0x2] =	stream.linear.gather [hbm4b:s26+s3], $0x80, $0x38;
	[tilespmem:$0x18180] =	vst v63  }
0x67: {  	_ =	swait.ge [sflag:s21], $0x4000  }
0x68: {  	[sflag:s21] =	ssyncset.done $0x0  }
0x69: {  	[sflag:s21] =	ssyncadd.s32 $0xFFFFC000  }
0x6a: {  	_ =	swait.ge [sflag:s20], $0x80  }
0x6b: {  	[sflag:s20] =	ssyncset.done $0x0  }
0x6c: {  	[sflag:s20] =	ssyncadd.s32 $0xFFFFFF80  }
0x6d: {  	_ =	swait.ge [sflag:s20], $0x80  }
0x6e: {  	s24 =	sadd.s32 $0x1, s24;
	[sflag:s20] =	ssyncset.done $0x0  }
0x6f: {  	p0 =	sne.s32 s24, s11;
	[sflag:s20] =	ssyncadd.s32 $0xFFFFFF80  }
.Ltmp1:
0x70: {  	[bflag:$0x0] =	sbarrier.arrive $0xFFFF;
	(pc) =	sbr.rel @p0 .LBB2_1-.Ltmp1, $4  }
0x71: {  	[hbm:s10], [sflag:s9] =	dma.local [spmem:s18], $0x2800  }
0x72: {  	_ =	swait.ge [sflag:s19], $0x2800  }
0x73: {  	[sflag:s19] =	ssyncset.done $0x0  }
0x74: {  	[sflag:s19] =	ssyncadd.s32 $0xFFFFD800  }
0x75: {  	_ =	sfence.sel $0x180000  }
0x76: {  	[bflag:$0x0] =	sbarrier.arrive $0xFFFF  }
0x77: {  	p0 =	sne.s32 s2, $0x0;
	_ =	strace $0x9000004A  }
0x78: {  	s0 =	sadd.s32 @!p0 $0x100000, s0;
	[bflag:$0x2] =	sbarrier.arrive $0xFFFF  }
0x79: {  	[sflag:s0] =	ssyncadd.tile.s32 @!p0 $0x1;
	_ =	shalt  }
.Lfunc_end2:
_tile_overlayer_lowered:
.L_overlay_start_2:
0x7a: {  	(tag) =	ssettag $0x2  }
0x7b: {  	s0 =	rddreg [dreg:$0x0];
	s2 =	stileid.u32  }
0x7c: {  	s1 =	rddreg [dreg:$0x1];
	p0 =	sne.s32 s2, $0x0  }
0x7d: {  	s3 =	rddreg [dreg:$0x2];
	[bflag:$0x3] =	sbarrier.arrive $0xFFFF;
	s2 =	simm.s32 @!p0 $0x1C04  }
0x7e: {  	[timem:s3], [sflag:s2] =	dma.local @!p0 [hbm:s0], s1  }
0x7f: {  	s0 =	simm.s32 @!p0 $0x4  }
0x80: {  	_ =	swait.ge @!p0 [sflag:s0], s1  }
0x81: {  	s1 =	ssub.s32 @!p0 $0x0, s1;
	[sflag:s0] =	ssyncset.done @!p0 $0x0  }
0x82: {  	[sflag:s0] =	ssyncadd.s32 @!p0 s1  }
0x83: {  	[bflag:$0x3] =	sbarrier.arrive $0xFFFF  }
0x84: {  	_ =	shalt  }

</sc_bundles>
